<compile_context>
chip_gen: v7x
topology: tpu7x:2x2x1
jax: 0.10.2.dev20260603
libtpu: 0.0.44.dev20260713+nightly
codegen_flags: <defaults>
</compile_context>

<pallas_src>
import functools

import jax
import jax.numpy as jnp
from jax import lax
from jax.experimental import pallas as pl
from jax.experimental.pallas import tpu as pltpu
from jax.experimental.pallas import tpu_sc as plsc

N = 10000
F = 128
E = 320000
NC = 2
NS = 16
NW = NC * NS
CH = 128
EC = E // CH
ECP = 2560
FULLC = ECP // NW
NPAD = 10240
NPT = NPAD // NS
GRP = 40


_sc_mesh = plsc.VectorSubcoreMesh(core_axis_name="c", subcore_axis_name="s")
_sc_params = pltpu.CompilerParams(needs_layout_passes=False)


def _deg_body(dst2, zeros1d, deg_out, idx_v, hist_v):
    c = lax.axis_index("c")
    s = lax.axis_index("s")
    wid = s * NC + c
    base = wid * FULLC

    pltpu.sync_copy(zeros1d, hist_v)
    pltpu.sync_copy(dst2.at[pl.ds(base, FULLC)], idx_v)

    ones16 = jnp.ones((16,), jnp.float32)

    def row_body(r, carry):
        for k in range(CH // 16):
            dv = idx_v[r, pl.ds(k * 16, 16)]
            plsc.addupdate_scatter(hist_v, [dv], ones16)
        return carry

    lax.fori_loop(0, FULLC, row_body, 0)

    pltpu.sync_copy(hist_v, deg_out.at[wid])


_deg_kernel = functools.partial(
    pl.kernel,
    out_type=jax.ShapeDtypeStruct((NW, NPAD), jnp.float32),
    mesh=_sc_mesh,
    compiler_params=_sc_params,
    scratch_types=[
        pltpu.VMEM((FULLC, CH), jnp.int32),
        pltpu.VMEM((NPAD,), jnp.float32),
    ],
)(_deg_body)


_PBLK = 256


def _split_body(ei_ref, src_ref, dst_ref):
    i = pl.program_id(0)
    r = ei_ref[...]
    s_row = r[0:1, :].reshape(_PBLK, CH)
    d_row = r[1:2, :].reshape(_PBLK, CH)
    rows = i * _PBLK + lax.broadcasted_iota(jnp.int32, (_PBLK, CH), 0)
    dummy = N + lax.broadcasted_iota(jnp.int32, (_PBLK, CH), 1)
    ok = rows < EC
    src_ref[...] = jnp.where(ok, s_row, dummy)
    dst_ref[...] = jnp.where(ok, d_row, dummy)


def _split_call(ei):
    return pl.pallas_call(
        _split_body,
        grid=(ECP // _PBLK,),
        in_specs=[pl.BlockSpec((2, _PBLK * CH), lambda i: (0, i))],
        out_specs=(
            pl.BlockSpec((_PBLK, CH), lambda i: (i, 0)),
            pl.BlockSpec((_PBLK, CH), lambda i: (i, 0)),
        ),
        out_shape=(
            jax.ShapeDtypeStruct((ECP, CH), jnp.int32),
            jax.ShapeDtypeStruct((ECP, CH), jnp.int32),
        ),
    )(ei)


_MBLK = 2048


def _mm_body(x_ref, w_ref, g_ref):
    g_ref[...] = lax.dot_general(x_ref[...], w_ref[...],
                                 (((1,), (1,)), ((), ())),
                                 preferred_element_type=jnp.float32)


def _mm_call(x, W):
    return pl.pallas_call(
        _mm_body,
        grid=(NPAD // _MBLK,),
        in_specs=[
            pl.BlockSpec((_MBLK, F), lambda i: (i, 0)),
            pl.BlockSpec((F, F), lambda i: (0, 0)),
        ],
        out_specs=pl.BlockSpec((_MBLK, F), lambda i: (i, 0)),
        out_shape=jax.ShapeDtypeStruct((NPAD, F), jnp.float32),
    )(x, W)


def _scale_body(deg_ref, g_ref, y_ref, dinv_ref):
    degsum = jnp.sum(deg_ref[...], axis=0, keepdims=True) + 1.0
    dinv_col = lax.rsqrt(degsum).reshape(_MBLK, 1)
    dinv_ref[...] = dinv_col
    y_ref[...] = g_ref[...] * dinv_col


def _scale_call(deg_p, g):
    return pl.pallas_call(
        _scale_body,
        grid=(NPAD // _MBLK,),
        in_specs=[
            pl.BlockSpec((NW, _MBLK), lambda i: (0, i)),
            pl.BlockSpec((_MBLK, F), lambda i: (i, 0)),
        ],
        out_specs=(
            pl.BlockSpec((_MBLK, F), lambda i: (i, 0)),
            pl.BlockSpec((_MBLK, 1), lambda i: (i, 0)),
        ),
        out_shape=(
            jax.ShapeDtypeStruct((NPAD, F), jnp.float32),
            jax.ShapeDtypeStruct((NPAD, 1), jnp.float32),
        ),
    )(deg_p, g)


def _prop_body(src2, dst2, y_hbm, zeros_blk, zp_out,
               src_v, dst_v, rows0, rows1, z_sp, gsem0, gsem1):
    c = lax.axis_index("c")
    s = lax.axis_index("s")
    wid = s * NC + c
    base = wid * FULLC

    pltpu.sync_copy(zeros_blk, rows0)
    for i in range(NPT // CH):
        pltpu.sync_copy(rows0, z_sp.at[pl.ds(s * NPT + i * CH, CH)])

    plsc.subcore_barrier()

    def run_group(gbase):
        pltpu.sync_copy(src2.at[pl.ds(gbase, GRP)], src_v)
        pltpu.sync_copy(dst2.at[pl.ds(gbase, GRP)], dst_v)
        pltpu.async_copy(y_hbm.at[src_v.at[0]], rows0, gsem0)

        def pair_body(t, carry2):
            j0 = t * 2
            j1 = j0 + 1
            pltpu.make_async_copy(y_hbm.at[src_v.at[j0]], rows0, gsem0).wait()
            pltpu.async_copy(y_hbm.at[src_v.at[j1]], rows1, gsem1)
            pltpu.sync_copy(rows0, z_sp.at[dst_v.at[j0]], add=True)
            pltpu.make_async_copy(y_hbm.at[src_v.at[j1]], rows1, gsem1).wait()

            @pl.when(j1 + 1 < GRP)
            def _():
                pltpu.async_copy(y_hbm.at[src_v.at[j1 + 1]], rows0, gsem0)

            pltpu.sync_copy(rows1, z_sp.at[dst_v.at[j1]], add=True)
            return carry2

        lax.fori_loop(0, GRP // 2, pair_body, 0)

    def group_body(g, carry):
        run_group(base + g * GRP)
        return carry

    lax.fori_loop(0, FULLC // GRP, group_body, 0)

    plsc.subcore_barrier()

    for i in range(NPT // CH):
        off = s * NPT + i * CH
        pltpu.sync_copy(z_sp.at[pl.ds(off, CH)], rows0)
        pltpu.sync_copy(rows0, zp_out.at[c, pl.ds(off, CH)])


_prop_kernel = functools.partial(
    pl.kernel,
    out_type=jax.ShapeDtypeStruct((NC, NPAD, F), jnp.float32),
    mesh=_sc_mesh,
    compiler_params=_sc_params,
    scratch_types=[
        pltpu.VMEM((GRP, CH), jnp.int32),
        pltpu.VMEM((GRP, CH), jnp.int32),
        pltpu.VMEM((CH, F), jnp.float32),
        pltpu.VMEM((CH, F), jnp.float32),
        pltpu.VMEM_SHARED((NPAD, F), jnp.float32),
        pltpu.SemaphoreType.DMA,
        pltpu.SemaphoreType.DMA,
    ],
)(_prop_body)


_DBLK = 2048


def _final_body(z_ref, y_ref, dinv_ref, x_ref, b_ref, o_ref):
    z = z_ref[0] + z_ref[1] + y_ref[...]
    o_ref[...] = x_ref[...] + jnp.maximum(
        z * dinv_ref[...] + b_ref[...], 0.0)


def _final_call(z_p, y_ext, dinv_col, x, b2):
    grid = NPAD // _DBLK
    return pl.pallas_call(
        _final_body,
        grid=(grid,),
        in_specs=[
            pl.BlockSpec((NC, _DBLK, F), lambda i: (0, i, 0)),
            pl.BlockSpec((_DBLK, F), lambda i: (i, 0)),
            pl.BlockSpec((_DBLK, 1), lambda i: (i, 0)),
            pl.BlockSpec((_DBLK, F), lambda i: (i, 0)),
            pl.BlockSpec((1, F), lambda i: (0, 0)),
        ],
        out_specs=pl.BlockSpec((_DBLK, F), lambda i: (i, 0)),
        out_shape=jax.ShapeDtypeStruct((N, F), jnp.float32),
    )(z_p, y_ext, dinv_col, x, b2)


def kernel(x, edge_index, W, b):
    zeros_blk = jnp.zeros((CH, F), jnp.float32)
    zeros1d = jnp.zeros((NPAD,), jnp.float32)
    b2 = b.reshape(1, F).astype(jnp.float32)
    x = x.astype(jnp.float32)

    src2, dst2 = _split_call(edge_index.astype(jnp.int32))
    g = _mm_call(x, W.astype(jnp.float32))
    deg_p = _deg_kernel(dst2, zeros1d)
    y_ext, dinv_col = _scale_call(deg_p, g)
    z_p = _prop_kernel(src2, dst2, y_ext, zeros_blk)
    return _final_call(z_p, y_ext, dinv_col, x, b2)

# --- scband reference (transcript-rebuilt; emitter-appended) ---
"""Pipeline reference for scband-sgc-31138512896566 (READ-ONLY COPY).

The authoritative reference and input builder live on the scoring server;
editing this copy changes nothing except your own understanding.
"""

import jax, jax.numpy as jnp
import numpy as np

NFEAT = 128
NCLASS = 128
N_NODES = 10000
N_EDGES = 320000

def setup_inputs(seed: int = 0) -> dict:
    key = jax.random.key(seed)
    k1, k2, k3, k4 = jax.random.split(key, 4)
    x = jax.random.normal(k1, (N_NODES, NFEAT), dtype=jnp.float32)
    edge_index = jax.random.randint(k2, (2, N_EDGES), 0, N_NODES, dtype=jnp.int64)
    # SGConv linear layer params (PyG Linear: weight [out, in], bias [out])
    bound = 1.0 / np.sqrt(NFEAT)
    W = jax.random.uniform(k3, (NCLASS, NFEAT), dtype=jnp.float32, minval=-bound, maxval=bound)
    b = jax.random.uniform(k4, (NCLASS,), dtype=jnp.float32, minval=-bound, maxval=bound)
    return {"x": x, "edge_index": edge_index, "W": W, "b": b}

def reference(x, edge_index, W, b):
    N = x.shape[0]
    src = edge_index[0]
    dst = edge_index[1]
    # gcn_norm with add_self_loops=True, edge_weight=1
    loop = jnp.arange(N, dtype=edge_index.dtype)
    src2 = jnp.concatenate([src, loop])
    dst2 = jnp.concatenate([dst, loop])
    ew = jnp.ones(src2.shape[0], dtype=x.dtype)
    deg = jnp.zeros((N,), dtype=x.dtype).at[dst2].add(ew)
    dinv = jnp.where(deg > 0, deg ** -0.5, 0.0)
    norm = dinv[src2] * ew * dinv[dst2]
    # K=1 propagation: out[dst] += norm * x[src]
    msg = x[src2] * norm[:, None]
    h = jnp.zeros_like(x).at[dst2].add(msg)
    # linear
    out = h @ W.T + b
    # residual + relu
    return x + jax.nn.relu(out)

if __name__ == "__main__":
    import jax
    _d = setup_inputs()
    print(jax.jit(kernel)(*tuple(_d.values())))

</pallas_src>

<mosaic_0001>
#map = affine_map<(d0, d1) -> (0, 0)>
#map1 = affine_map<(d0, d1) -> (0)>
module attributes {stable_mosaic.version = 14 : i64} {
  func.func @_deg_body(%arg0: i32, %arg1: i32, %arg2: memref<2560x128xi32, #tpu.memory_space<hbm>>, %arg3: memref<10240xf32, #tpu.memory_space<hbm>>, %arg4: memref<32x10240xf32, #tpu.memory_space<hbm>>, %arg5: memref<80x128xi32, #tpu.memory_space<vmem>>, %arg6: memref<10240xf32, #tpu.memory_space<vmem>>) attributes {dimension_semantics = [#tpu.dimension_semantics<core_parallel>, #tpu.dimension_semantics<subcore_parallel>], iteration_bounds = array<i64: 2, 16>, scalar_prefetch = 0 : i64, scratch_operands = 2 : i64, tpu.core_type = #tpu.core_type<sc_vector_subcore>, window_params = [{transform_indices = #map}, {transform_indices = #map1}, {transform_indices = #map}]} {
    %mul3A = arith.constant 2 : i32
    %mul3A_0 = arith.muli %arg1, %mul3A : i32
    %add3A = arith.addi %mul3A_0, %arg0 : i32
    %mul3A_1 = arith.constant 80 : i32
    %mul3A_2 = arith.muli %add3A, %mul3A_1 : i32
    "tpu.region"() ({
      %run_scoped3A = tpu.sem_alloc : memref<!tpu.dma_semaphore, #tpu.memory_space<semaphore_mem>>
      tpu.enqueue_dma source(%arg3 : memref<10240xf32, #tpu.memory_space<hbm>>) target(%arg6 : memref<10240xf32, #tpu.memory_space<vmem>>) target_semaphore(%run_scoped3A : memref<!tpu.dma_semaphore, #tpu.memory_space<semaphore_mem>>)
      tpu.wait_dma2 semaphore(%run_scoped3A : memref<!tpu.dma_semaphore, #tpu.memory_space<semaphore_mem>>) src(%arg3 : memref<10240xf32, #tpu.memory_space<hbm>>) dst(%arg6 : memref<10240xf32, #tpu.memory_space<vmem>>)
      tpu.yield
    }) : () -> ()
    "tpu.region"() ({
      %run_scoped3A = tpu.sem_alloc : memref<!tpu.dma_semaphore, #tpu.memory_space<semaphore_mem>>
      %dma_start3A = arith.constant 0 : i32
      %dma_start3A_9 = tpu.memref_slice %arg2[%mul3A_2, %dma_start3A] : memref<2560x128xi32, #tpu.memory_space<hbm>> -> memref<80x128xi32, #tpu.memory_space<hbm>>
      %dma_start3A_10 = arith.constant 0 : i32
      %dma_start3A_11 = tpu.memref_slice %arg2[%mul3A_2, %dma_start3A_10] : memref<2560x128xi32, #tpu.memory_space<hbm>> -> memref<80x128xi32, #tpu.memory_space<hbm>>
      tpu.enqueue_dma source(%dma_start3A_11 : memref<80x128xi32, #tpu.memory_space<hbm>>) target(%arg5 : memref<80x128xi32, #tpu.memory_space<vmem>>) target_semaphore(%run_scoped3A : memref<!tpu.dma_semaphore, #tpu.memory_space<semaphore_mem>>)
      %dma_wait3A = arith.constant 0 : i32
      %dma_wait3A_12 = tpu.memref_slice %arg2[%mul3A_2, %dma_wait3A] : memref<2560x128xi32, #tpu.memory_space<hbm>> -> memref<80x128xi32, #tpu.memory_space<hbm>>
      %dma_wait3A_13 = arith.constant 0 : i32
      %dma_wait3A_14 = tpu.memref_slice %arg2[%mul3A_2, %dma_wait3A_13] : memref<2560x128xi32, #tpu.memory_space<hbm>> -> memref<80x128xi32, #tpu.memory_space<hbm>>
      tpu.wait_dma2 semaphore(%run_scoped3A : memref<!tpu.dma_semaphore, #tpu.memory_space<semaphore_mem>>) src(%dma_wait3A_14 : memref<80x128xi32, #tpu.memory_space<hbm>>) dst(%arg5 : memref<80x128xi32, #tpu.memory_space<vmem>>)
      tpu.yield
    }) : () -> ()
    %broadcast_in_dim3A = arith.constant 1.000000e+00 : f32
    %broadcast_in_dim3A_3 = vector.broadcast %broadcast_in_dim3A : f32 to vector<16xf32>
    %scan3A = arith.constant 0 : i32
    %scan3A_4 = arith.constant 0 : i32
    %scan3A_5 = arith.constant 80 : i32
    %scan3A_6 = arith.addi %scan3A_4, %scan3A_5 : i32
    %scan3A_7 = arith.constant 1 : i32
    scf.for %scan3A_9 = %scan3A_4 to %scan3A_6 step %scan3A_7  : i32 {
      %get3A = arith.index_cast %scan3A_9 : i32 to index
      %get3A_10 = arith.constant 0 : index
      %get3A_11 = tpu.vector_load %arg5[%get3A, %get3A_10] {strides = array<i32>} : memref<80x128xi32, #tpu.memory_space<vmem>>, vector<16xi32>,
      tpu.vector_store_idx %arg6[%get3A_11], %broadcast_in_dim3A_3 {add = true} : memref<10240xf32, #tpu.memory_space<vmem>>[vector<16xi32>], vector<16xf32>,
      %get3A_12 = arith.index_cast %scan3A_9 : i32 to index
      %get3A_13 = arith.constant 16 : index
      %get3A_14 = tpu.vector_load %arg5[%get3A_12, %get3A_13] {strides = array<i32>} : memref<80x128xi32, #tpu.memory_space<vmem>>, vector<16xi32>,
      tpu.vector_store_idx %arg6[%get3A_14], %broadcast_in_dim3A_3 {add = true} : memref<10240xf32, #tpu.memory_space<vmem>>[vector<16xi32>], vector<16xf32>,
      %get3A_15 = arith.index_cast %scan3A_9 : i32 to index
      %get3A_16 = arith.constant 32 : index
      %get3A_17 = tpu.vector_load %arg5[%get3A_15, %get3A_16] {strides = array<i32>} : memref<80x128xi32, #tpu.memory_space<vmem>>, vector<16xi32>,
      tpu.vector_store_idx %arg6[%get3A_17], %broadcast_in_dim3A_3 {add = true} : memref<10240xf32, #tpu.memory_space<vmem>>[vector<16xi32>], vector<16xf32>,
      %get3A_18 = arith.index_cast %scan3A_9 : i32 to index
      %get3A_19 = arith.constant 48 : index
      %get3A_20 = tpu.vector_load %arg5[%get3A_18, %get3A_19] {strides = array<i32>} : memref<80x128xi32, #tpu.memory_space<vmem>>, vector<16xi32>,
      tpu.vector_store_idx %arg6[%get3A_20], %broadcast_in_dim3A_3 {add = true} : memref<10240xf32, #tpu.memory_space<vmem>>[vector<16xi32>], vector<16xf32>,
      %get3A_21 = arith.index_cast %scan3A_9 : i32 to index
      %get3A_22 = arith.constant 64 : index
      %get3A_23 = tpu.vector_load %arg5[%get3A_21, %get3A_22] {strides = array<i32>} : memref<80x128xi32, #tpu.memory_space<vmem>>, vector<16xi32>,
      tpu.vector_store_idx %arg6[%get3A_23], %broadcast_in_dim3A_3 {add = true} : memref<10240xf32, #tpu.memory_space<vmem>>[vector<16xi32>], vector<16xf32>,
      %get3A_24 = arith.index_cast %scan3A_9 : i32 to index
      %get3A_25 = arith.constant 80 : index
      %get3A_26 = tpu.vector_load %arg5[%get3A_24, %get3A_25] {strides = array<i32>} : memref<80x128xi32, #tpu.memory_space<vmem>>, vector<16xi32>,
      tpu.vector_store_idx %arg6[%get3A_26], %broadcast_in_dim3A_3 {add = true} : memref<10240xf32, #tpu.memory_space<vmem>>[vector<16xi32>], vector<16xf32>,
      %get3A_27 = arith.index_cast %scan3A_9 : i32 to index
      %get3A_28 = arith.constant 96 : index
      %get3A_29 = tpu.vector_load %arg5[%get3A_27, %get3A_28] {strides = array<i32>} : memref<80x128xi32, #tpu.memory_space<vmem>>, vector<16xi32>,
      tpu.vector_store_idx %arg6[%get3A_29], %broadcast_in_dim3A_3 {add = true} : memref<10240xf32, #tpu.memory_space<vmem>>[vector<16xi32>], vector<16xf32>,
      %get3A_30 = arith.index_cast %scan3A_9 : i32 to index
      %get3A_31 = arith.constant 112 : index
      %get3A_32 = tpu.vector_load %arg5[%get3A_30, %get3A_31] {strides = array<i32>} : memref<80x128xi32, #tpu.memory_space<vmem>>, vector<16xi32>,
      tpu.vector_store_idx %arg6[%get3A_32], %broadcast_in_dim3A_3 {add = true} : memref<10240xf32, #tpu.memory_space<vmem>>[vector<16xi32>], vector<16xf32>,
    }
    %scan3A_8 = arith.constant 80 : i32
    "tpu.region"() ({
      %run_scoped3A = tpu.sem_alloc : memref<!tpu.dma_semaphore, #tpu.memory_space<semaphore_mem>>
      %dma_start3A = arith.constant 0 : i32
      %dma_start3A_9 = tpu.memref_slice %arg4[%add3A, %dma_start3A] : memref<32x10240xf32, #tpu.memory_space<hbm>> -> memref<1x10240xf32, #tpu.memory_space<hbm>>
      %dma_start3A_10 = tpu.memref_squeeze %dma_start3A_9 : memref<1x10240xf32, #tpu.memory_space<hbm>> -> memref<10240xf32, #tpu.memory_space<hbm>>
      %dma_start3A_11 = arith.constant 0 : i32
      %dma_start3A_12 = tpu.memref_slice %arg4[%add3A, %dma_start3A_11] : memref<32x10240xf32, #tpu.memory_space<hbm>> -> memref<1x10240xf32, #tpu.memory_space<hbm>>
      %dma_start3A_13 = tpu.memref_squeeze %dma_start3A_12 : memref<1x10240xf32, #tpu.memory_space<hbm>> -> memref<10240xf32, #tpu.memory_space<hbm>>
      tpu.enqueue_dma source(%arg6 : memref<10240xf32, #tpu.memory_space<vmem>>) target(%dma_start3A_13 : memref<10240xf32, #tpu.memory_space<hbm>>) target_semaphore(%run_scoped3A : memref<!tpu.dma_semaphore, #tpu.memory_space<semaphore_mem>>)
      %dma_wait3A = arith.constant 0 : i32
      %dma_wait3A_14 = tpu.memref_slice %arg4[%add3A, %dma_wait3A] : memref<32x10240xf32, #tpu.memory_space<hbm>> -> memref<1x10240xf32, #tpu.memory_space<hbm>>
      %dma_wait3A_15 = tpu.memref_squeeze %dma_wait3A_14 : memref<1x10240xf32, #tpu.memory_space<hbm>> -> memref<10240xf32, #tpu.memory_space<hbm>>
      %dma_wait3A_16 = arith.constant 0 : i32
      %dma_wait3A_17 = tpu.memref_slice %arg4[%add3A, %dma_wait3A_16] : memref<32x10240xf32, #tpu.memory_space<hbm>> -> memref<1x10240xf32, #tpu.memory_space<hbm>>
      %dma_wait3A_18 = tpu.memref_squeeze %dma_wait3A_17 : memref<1x10240xf32, #tpu.memory_space<hbm>> -> memref<10240xf32, #tpu.memory_space<hbm>>
      tpu.wait_dma2 semaphore(%run_scoped3A : memref<!tpu.dma_semaphore, #tpu.memory_space<semaphore_mem>>) src(%arg6 : memref<10240xf32, #tpu.memory_space<vmem>>) dst(%dma_wait3A_18 : memref<10240xf32, #tpu.memory_space<hbm>>)
      tpu.yield
    }) : () -> ()
    return
  }
}

#map = affine_map<(d0, d1) -> (0, 0)>
#map1 = affine_map<(d0, d1) -> (0, 0, 0)>
module attributes {stable_mosaic.version = 14 : i64} {
  func.func @_prop_body(%arg0: i32, %arg1: i32, %arg2: memref<2560x128xi32, #tpu.memory_space<hbm>>, %arg3: memref<2560x128xi32, #tpu.memory_space<hbm>>, %arg4: memref<10240x128xf32, #tpu.memory_space<hbm>>, %arg5: memref<128x128xf32, #tpu.memory_space<hbm>>, %arg6: memref<2x10240x128xf32, #tpu.memory_space<hbm>>, %arg7: memref<40x128xi32, #tpu.memory_space<vmem>>, %arg8: memref<40x128xi32, #tpu.memory_space<vmem>>, %arg9: memref<128x128xf32, #tpu.memory_space<vmem>>, %arg10: memref<128x128xf32, #tpu.memory_space<vmem>>, %arg11: memref<10240x128xf32, #tpu.memory_space<vmem_shared>>, %arg12: memref<!tpu.dma_semaphore, #tpu.memory_space<semaphore_mem>>, %arg13: memref<!tpu.dma_semaphore, #tpu.memory_space<semaphore_mem>>) attributes {dimension_semantics = [#tpu.dimension_semantics<core_parallel>, #tpu.dimension_semantics<subcore_parallel>], iteration_bounds = array<i64: 2, 16>, scalar_prefetch = 0 : i64, scratch_operands = 7 : i64, tpu.core_type = #tpu.core_type<sc_vector_subcore>, window_params = [{transform_indices = #map}, {transform_indices = #map}, {transform_indices = #map}, {transform_indices = #map}, {transform_indices = #map1}]} {
    %mul3A = arith.constant 2 : i32
    %mul3A_0 = arith.muli %arg1, %mul3A : i32
    %add3A = arith.addi %mul3A_0, %arg0 : i32
    %mul3A_1 = arith.constant 80 : i32
    %mul3A_2 = arith.muli %add3A, %mul3A_1 : i32
    "tpu.region"() ({
      %run_scoped3A = tpu.sem_alloc : memref<!tpu.dma_semaphore, #tpu.memory_space<semaphore_mem>>
      tpu.enqueue_dma source(%arg5 : memref<128x128xf32, #tpu.memory_space<hbm>>) target(%arg9 : memref<128x128xf32, #tpu.memory_space<vmem>>) target_semaphore(%run_scoped3A : memref<!tpu.dma_semaphore, #tpu.memory_space<semaphore_mem>>)
      tpu.wait_dma2 semaphore(%run_scoped3A : memref<!tpu.dma_semaphore, #tpu.memory_space<semaphore_mem>>) src(%arg5 : memref<128x128xf32, #tpu.memory_space<hbm>>) dst(%arg9 : memref<128x128xf32, #tpu.memory_space<vmem>>)
      tpu.yield
    }) : () -> ()
    %mul3A_3 = arith.constant 640 : i32
    %mul3A_4 = arith.muli %arg1, %mul3A_3 : i32
    %add3A_5 = arith.constant 0 : i32
    %add3A_6 = arith.addi %mul3A_4, %add3A_5 : i32
    "tpu.region"() ({
      %run_scoped3A = tpu.sem_alloc : memref<!tpu.dma_semaphore, #tpu.memory_space<semaphore_mem>>
      %dma_start3A = arith.constant 0 : i32
      %dma_start3A_49 = tpu.memref_slice %arg11[%add3A_6, %dma_start3A] : memref<10240x128xf32, #tpu.memory_space<vmem_shared>> -> memref<128x128xf32, #tpu.memory_space<vmem_shared>>
      %dma_start3A_50 = arith.constant 0 : i32
      %dma_start3A_51 = tpu.memref_slice %arg11[%add3A_6, %dma_start3A_50] : memref<10240x128xf32, #tpu.memory_space<vmem_shared>> -> memref<128x128xf32, #tpu.memory_space<vmem_shared>>
      tpu.enqueue_dma source(%arg9 : memref<128x128xf32, #tpu.memory_space<vmem>>) target(%dma_start3A_51 : memref<128x128xf32, #tpu.memory_space<vmem_shared>>) target_semaphore(%run_scoped3A : memref<!tpu.dma_semaphore, #tpu.memory_space<semaphore_mem>>)
      %dma_wait3A = arith.constant 0 : i32
      %dma_wait3A_52 = tpu.memref_slice %arg11[%add3A_6, %dma_wait3A] : memref<10240x128xf32, #tpu.memory_space<vmem_shared>> -> memref<128x128xf32, #tpu.memory_space<vmem_shared>>
      %dma_wait3A_53 = arith.constant 0 : i32
      %dma_wait3A_54 = tpu.memref_slice %arg11[%add3A_6, %dma_wait3A_53] : memref<10240x128xf32, #tpu.memory_space<vmem_shared>> -> memref<128x128xf32, #tpu.memory_space<vmem_shared>>
      tpu.wait_dma2 semaphore(%run_scoped3A : memref<!tpu.dma_semaphore, #tpu.memory_space<semaphore_mem>>) src(%arg9 : memref<128x128xf32, #tpu.memory_space<vmem>>) dst(%dma_wait3A_54 : memref<128x128xf32, #tpu.memory_space<vmem_shared>>)
      tpu.yield
    }) : () -> ()
    %mul3A_7 = arith.constant 640 : i32
    %mul3A_8 = arith.muli %arg1, %mul3A_7 : i32
    %add3A_9 = arith.constant 128 : i32
    %add3A_10 = arith.addi %mul3A_8, %add3A_9 : i32
    "tpu.region"() ({
      %run_scoped3A = tpu.sem_alloc : memref<!tpu.dma_semaphore, #tpu.memory_space<semaphore_mem>>
      %dma_start3A = arith.constant 0 : i32
      %dma_start3A_49 = tpu.memref_slice %arg11[%add3A_10, %dma_start3A] : memref<10240x128xf32, #tpu.memory_space<vmem_shared>> -> memref<128x128xf32, #tpu.memory_space<vmem_shared>>
      %dma_start3A_50 = arith.constant 0 : i32
      %dma_start3A_51 = tpu.memref_slice %arg11[%add3A_10, %dma_start3A_50] : memref<10240x128xf32, #tpu.memory_space<vmem_shared>> -> memref<128x128xf32, #tpu.memory_space<vmem_shared>>
      tpu.enqueue_dma source(%arg9 : memref<128x128xf32, #tpu.memory_space<vmem>>) target(%dma_start3A_51 : memref<128x128xf32, #tpu.memory_space<vmem_shared>>) target_semaphore(%run_scoped3A : memref<!tpu.dma_semaphore, #tpu.memory_space<semaphore_mem>>)
      %dma_wait3A = arith.constant 0 : i32
      %dma_wait3A_52 = tpu.memref_slice %arg11[%add3A_10, %dma_wait3A] : memref<10240x128xf32, #tpu.memory_space<vmem_shared>> -> memref<128x128xf32, #tpu.memory_space<vmem_shared>>
      %dma_wait3A_53 = arith.constant 0 : i32
      %dma_wait3A_54 = tpu.memref_slice %arg11[%add3A_10, %dma_wait3A_53] : memref<10240x128xf32, #tpu.memory_space<vmem_shared>> -> memref<128x128xf32, #tpu.memory_space<vmem_shared>>
      tpu.wait_dma2 semaphore(%run_scoped3A : memref<!tpu.dma_semaphore, #tpu.memory_space<semaphore_mem>>) src(%arg9 : memref<128x128xf32, #tpu.memory_space<vmem>>) dst(%dma_wait3A_54 : memref<128x128xf32, #tpu.memory_space<vmem_shared>>)
      tpu.yield
    }) : () -> ()
    %mul3A_11 = arith.constant 640 : i32
    %mul3A_12 = arith.muli %arg1, %mul3A_11 : i32
    %add3A_13 = arith.constant 256 : i32
    %add3A_14 = arith.addi %mul3A_12, %add3A_13 : i32
    "tpu.region"() ({
      %run_scoped3A = tpu.sem_alloc : memref<!tpu.dma_semaphore, #tpu.memory_space<semaphore_mem>>
      %dma_start3A = arith.constant 0 : i32
      %dma_start3A_49 = tpu.memref_slice %arg11[%add3A_14, %dma_start3A] : memref<10240x128xf32, #tpu.memory_space<vmem_shared>> -> memref<128x128xf32, #tpu.memory_space<vmem_shared>>
      %dma_start3A_50 = arith.constant 0 : i32
      %dma_start3A_51 = tpu.memref_slice %arg11[%add3A_14, %dma_start3A_50] : memref<10240x128xf32, #tpu.memory_space<vmem_shared>> -> memref<128x128xf32, #tpu.memory_space<vmem_shared>>
      tpu.enqueue_dma source(%arg9 : memref<128x128xf32, #tpu.memory_space<vmem>>) target(%dma_start3A_51 : memref<128x128xf32, #tpu.memory_space<vmem_shared>>) target_semaphore(%run_scoped3A : memref<!tpu.dma_semaphore, #tpu.memory_space<semaphore_mem>>)
      %dma_wait3A = arith.constant 0 : i32
      %dma_wait3A_52 = tpu.memref_slice %arg11[%add3A_14, %dma_wait3A] : memref<10240x128xf32, #tpu.memory_space<vmem_shared>> -> memref<128x128xf32, #tpu.memory_space<vmem_shared>>
      %dma_wait3A_53 = arith.constant 0 : i32
      %dma_wait3A_54 = tpu.memref_slice %arg11[%add3A_14, %dma_wait3A_53] : memref<10240x128xf32, #tpu.memory_space<vmem_shared>> -> memref<128x128xf32, #tpu.memory_space<vmem_shared>>
      tpu.wait_dma2 semaphore(%run_scoped3A : memref<!tpu.dma_semaphore, #tpu.memory_space<semaphore_mem>>) src(%arg9 : memref<128x128xf32, #tpu.memory_space<vmem>>) dst(%dma_wait3A_54 : memref<128x128xf32, #tpu.memory_space<vmem_shared>>)
      tpu.yield
    }) : () -> ()
    %mul3A_15 = arith.constant 640 : i32
    %mul3A_16 = arith.muli %arg1, %mul3A_15 : i32
    %add3A_17 = arith.constant 384 : i32
    %add3A_18 = arith.addi %mul3A_16, %add3A_17 : i32
    "tpu.region"() ({
      %run_scoped3A = tpu.sem_alloc : memref<!tpu.dma_semaphore, #tpu.memory_space<semaphore_mem>>
      %dma_start3A = arith.constant 0 : i32
      %dma_start3A_49 = tpu.memref_slice %arg11[%add3A_18, %dma_start3A] : memref<10240x128xf32, #tpu.memory_space<vmem_shared>> -> memref<128x128xf32, #tpu.memory_space<vmem_shared>>
      %dma_start3A_50 = arith.constant 0 : i32
      %dma_start3A_51 = tpu.memref_slice %arg11[%add3A_18, %dma_start3A_50] : memref<10240x128xf32, #tpu.memory_space<vmem_shared>> -> memref<128x128xf32, #tpu.memory_space<vmem_shared>>
      tpu.enqueue_dma source(%arg9 : memref<128x128xf32, #tpu.memory_space<vmem>>) target(%dma_start3A_51 : memref<128x128xf32, #tpu.memory_space<vmem_shared>>) target_semaphore(%run_scoped3A : memref<!tpu.dma_semaphore, #tpu.memory_space<semaphore_mem>>)
      %dma_wait3A = arith.constant 0 : i32
      %dma_wait3A_52 = tpu.memref_slice %arg11[%add3A_18, %dma_wait3A] : memref<10240x128xf32, #tpu.memory_space<vmem_shared>> -> memref<128x128xf32, #tpu.memory_space<vmem_shared>>
      %dma_wait3A_53 = arith.constant 0 : i32
      %dma_wait3A_54 = tpu.memref_slice %arg11[%add3A_18, %dma_wait3A_53] : memref<10240x128xf32, #tpu.memory_space<vmem_shared>> -> memref<128x128xf32, #tpu.memory_space<vmem_shared>>
      tpu.wait_dma2 semaphore(%run_scoped3A : memref<!tpu.dma_semaphore, #tpu.memory_space<semaphore_mem>>) src(%arg9 : memref<128x128xf32, #tpu.memory_space<vmem>>) dst(%dma_wait3A_54 : memref<128x128xf32, #tpu.memory_space<vmem_shared>>)
      tpu.yield
    }) : () -> ()
    %mul3A_19 = arith.constant 640 : i32
    %mul3A_20 = arith.muli %arg1, %mul3A_19 : i32
    %add3A_21 = arith.constant 512 : i32
    %add3A_22 = arith.addi %mul3A_20, %add3A_21 : i32
    "tpu.region"() ({
      %run_scoped3A = tpu.sem_alloc : memref<!tpu.dma_semaphore, #tpu.memory_space<semaphore_mem>>
      %dma_start3A = arith.constant 0 : i32
      %dma_start3A_49 = tpu.memref_slice %arg11[%add3A_22, %dma_start3A] : memref<10240x128xf32, #tpu.memory_space<vmem_shared>> -> memref<128x128xf32, #tpu.memory_space<vmem_shared>>
      %dma_start3A_50 = arith.constant 0 : i32
      %dma_start3A_51 = tpu.memref_slice %arg11[%add3A_22, %dma_start3A_50] : memref<10240x128xf32, #tpu.memory_space<vmem_shared>> -> memref<128x128xf32, #tpu.memory_space<vmem_shared>>
      tpu.enqueue_dma source(%arg9 : memref<128x128xf32, #tpu.memory_space<vmem>>) target(%dma_start3A_51 : memref<128x128xf32, #tpu.memory_space<vmem_shared>>) target_semaphore(%run_scoped3A : memref<!tpu.dma_semaphore, #tpu.memory_space<semaphore_mem>>)
      %dma_wait3A = arith.constant 0 : i32
      %dma_wait3A_52 = tpu.memref_slice %arg11[%add3A_22, %dma_wait3A] : memref<10240x128xf32, #tpu.memory_space<vmem_shared>> -> memref<128x128xf32, #tpu.memory_space<vmem_shared>>
      %dma_wait3A_53 = arith.constant 0 : i32
      %dma_wait3A_54 = tpu.memref_slice %arg11[%add3A_22, %dma_wait3A_53] : memref<10240x128xf32, #tpu.memory_space<vmem_shared>> -> memref<128x128xf32, #tpu.memory_space<vmem_shared>>
      tpu.wait_dma2 semaphore(%run_scoped3A : memref<!tpu.dma_semaphore, #tpu.memory_space<semaphore_mem>>) src(%arg9 : memref<128x128xf32, #tpu.memory_space<vmem>>) dst(%dma_wait3A_54 : memref<128x128xf32, #tpu.memory_space<vmem_shared>>)
      tpu.yield
    }) : () -> ()
    %barrier3A = arith.constant 0 : index
    tpu.barrier barrier_id(%barrier3A)
    %scan3A = arith.constant 0 : i32
    %scan3A_23 = arith.constant 0 : i32
    %scan3A_24 = arith.constant 2 : i32
    %scan3A_25 = arith.addi %scan3A_23, %scan3A_24 : i32
    %scan3A_26 = arith.constant 1 : i32
    scf.for %scan3A_49 = %scan3A_23 to %scan3A_25 step %scan3A_26  : i32 {
      %mul3A_50 = arith.constant 40 : i32
      %mul3A_51 = arith.muli %scan3A_49, %mul3A_50 : i32
      %add3A_52 = arith.addi %mul3A_2, %mul3A_51 : i32
      "tpu.region"() ({
        %run_scoped3A = tpu.sem_alloc : memref<!tpu.dma_semaphore, #tpu.memory_space<semaphore_mem>>
        %dma_start3A_65 = arith.constant 0 : i32
        %dma_start3A_66 = tpu.memref_slice %arg2[%add3A_52, %dma_start3A_65] : memref<2560x128xi32, #tpu.memory_space<hbm>> -> memref<40x128xi32, #tpu.memory_space<hbm>>
        %dma_start3A_67 = arith.constant 0 : i32
        %dma_start3A_68 = tpu.memref_slice %arg2[%add3A_52, %dma_start3A_67] : memref<2560x128xi32, #tpu.memory_space<hbm>> -> memref<40x128xi32, #tpu.memory_space<hbm>>
        tpu.enqueue_dma source(%dma_start3A_68 : memref<40x128xi32, #tpu.memory_space<hbm>>) target(%arg7 : memref<40x128xi32, #tpu.memory_space<vmem>>) target_semaphore(%run_scoped3A : memref<!tpu.dma_semaphore, #tpu.memory_space<semaphore_mem>>)
        %dma_wait3A = arith.constant 0 : i32
        %dma_wait3A_69 = tpu.memref_slice %arg2[%add3A_52, %dma_wait3A] : memref<2560x128xi32, #tpu.memory_space<hbm>> -> memref<40x128xi32, #tpu.memory_space<hbm>>
        %dma_wait3A_70 = arith.constant 0 : i32
        %dma_wait3A_71 = tpu.memref_slice %arg2[%add3A_52, %dma_wait3A_70] : memref<2560x128xi32, #tpu.memory_space<hbm>> -> memref<40x128xi32, #tpu.memory_space<hbm>>
        tpu.wait_dma2 semaphore(%run_scoped3A : memref<!tpu.dma_semaphore, #tpu.memory_space<semaphore_mem>>) src(%dma_wait3A_71 : memref<40x128xi32, #tpu.memory_space<hbm>>) dst(%arg7 : memref<40x128xi32, #tpu.memory_space<vmem>>)
        tpu.yield
      }) : () -> ()
      "tpu.region"() ({
        %run_scoped3A = tpu.sem_alloc : memref<!tpu.dma_semaphore, #tpu.memory_space<semaphore_mem>>
        %dma_start3A_65 = arith.constant 0 : i32
        %dma_start3A_66 = tpu.memref_slice %arg3[%add3A_52, %dma_start3A_65] : memref<2560x128xi32, #tpu.memory_space<hbm>> -> memref<40x128xi32, #tpu.memory_space<hbm>>
        %dma_start3A_67 = arith.constant 0 : i32
        %dma_start3A_68 = tpu.memref_slice %arg3[%add3A_52, %dma_start3A_67] : memref<2560x128xi32, #tpu.memory_space<hbm>> -> memref<40x128xi32, #tpu.memory_space<hbm>>
        tpu.enqueue_dma source(%dma_start3A_68 : memref<40x128xi32, #tpu.memory_space<hbm>>) target(%arg8 : memref<40x128xi32, #tpu.memory_space<vmem>>) target_semaphore(%run_scoped3A : memref<!tpu.dma_semaphore, #tpu.memory_space<semaphore_mem>>)
        %dma_wait3A = arith.constant 0 : i32
        %dma_wait3A_69 = tpu.memref_slice %arg3[%add3A_52, %dma_wait3A] : memref<2560x128xi32, #tpu.memory_space<hbm>> -> memref<40x128xi32, #tpu.memory_space<hbm>>
        %dma_wait3A_70 = arith.constant 0 : i32
        %dma_wait3A_71 = tpu.memref_slice %arg3[%add3A_52, %dma_wait3A_70] : memref<2560x128xi32, #tpu.memory_space<hbm>> -> memref<40x128xi32, #tpu.memory_space<hbm>>
        tpu.wait_dma2 semaphore(%run_scoped3A : memref<!tpu.dma_semaphore, #tpu.memory_space<semaphore_mem>>) src(%dma_wait3A_71 : memref<40x128xi32, #tpu.memory_space<hbm>>) dst(%arg8 : memref<40x128xi32, #tpu.memory_space<vmem>>)
        tpu.yield
      }) : () -> ()
      %dma_start3A = arith.constant 0 : i32
      %dma_start3A_53 = arith.constant 0 : i32
      %dma_start3A_54 = tpu.memref_slice %arg7[%dma_start3A, %dma_start3A_53] : memref<40x128xi32, #tpu.memory_space<vmem>> -> memref<1x128xi32, #tpu.memory_space<vmem>>
      %dma_start3A_55 = tpu.memref_squeeze %dma_start3A_54 : memref<1x128xi32, #tpu.memory_space<vmem>> -> memref<128xi32, #tpu.memory_space<vmem>>
      %dma_start3A_56 = arith.constant 0 : i32
      %dma_start3A_57 = arith.constant 0 : i32
      %dma_start3A_58 = tpu.memref_slice %arg4[%dma_start3A_56, %dma_start3A_57] : memref<10240x128xf32, #tpu.memory_space<hbm>> -> memref<10240x128xf32, #tpu.memory_space<hbm>>
      tpu.enqueue_indirect_dma source(%dma_start3A_58 : memref<10240x128xf32, #tpu.memory_space<hbm>>) target(%arg9 : memref<128x128xf32, #tpu.memory_space<vmem>>) offsets(%dma_start3A_55 : memref<128xi32, #tpu.memory_space<vmem>>) semaphore(%arg12 : memref<!tpu.dma_semaphore, #tpu.memory_space<semaphore_mem>>)
      %scan3A_59 = arith.constant 0 : i32
      %scan3A_60 = arith.constant 0 : i32
      %scan3A_61 = arith.constant 20 : i32
      %scan3A_62 = arith.addi %scan3A_60, %scan3A_61 : i32
      %scan3A_63 = arith.constant 1 : i32
      scf.for %scan3A_65 = %scan3A_60 to %scan3A_62 step %scan3A_63  : i32 {
        %mul3A_66 = arith.constant 2 : i32
        %mul3A_67 = arith.muli %scan3A_65, %mul3A_66 : i32
        %add3A_68 = arith.constant 1 : i32
        %add3A_69 = arith.addi %mul3A_67, %add3A_68 : i32
        %dma_wait3A = arith.constant 0 : i32
        %dma_wait3A_70 = tpu.memref_slice %arg7[%mul3A_67, %dma_wait3A] : memref<40x128xi32, #tpu.memory_space<vmem>> -> memref<1x128xi32, #tpu.memory_space<vmem>>
        %dma_wait3A_71 = tpu.memref_squeeze %dma_wait3A_70 : memref<1x128xi32, #tpu.memory_space<vmem>> -> memref<128xi32, #tpu.memory_space<vmem>>
        %dma_wait3A_72 = arith.constant 0 : i32
        %dma_wait3A_73 = arith.constant 0 : i32
        %dma_wait3A_74 = tpu.memref_slice %arg4[%dma_wait3A_72, %dma_wait3A_73] : memref<10240x128xf32, #tpu.memory_space<hbm>> -> memref<10240x128xf32, #tpu.memory_space<hbm>>
        tpu.wait_indirect_dma semaphore(%arg12 : memref<!tpu.dma_semaphore, #tpu.memory_space<semaphore_mem>>) src(%dma_wait3A_74 : memref<10240x128xf32, #tpu.memory_space<hbm>>) dst(%arg9 : memref<128x128xf32, #tpu.memory_space<vmem>>)
        %dma_start3A_75 = arith.constant 0 : i32
        %dma_start3A_76 = tpu.memref_slice %arg7[%add3A_69, %dma_start3A_75] : memref<40x128xi32, #tpu.memory_space<vmem>> -> memref<1x128xi32, #tpu.memory_space<vmem>>
        %dma_start3A_77 = tpu.memref_squeeze %dma_start3A_76 : memref<1x128xi32, #tpu.memory_space<vmem>> -> memref<128xi32, #tpu.memory_space<vmem>>
        %dma_start3A_78 = arith.constant 0 : i32
        %dma_start3A_79 = arith.constant 0 : i32
        %dma_start3A_80 = tpu.memref_slice %arg4[%dma_start3A_78, %dma_start3A_79] : memref<10240x128xf32, #tpu.memory_space<hbm>> -> memref<10240x128xf32, #tpu.memory_space<hbm>>
        tpu.enqueue_indirect_dma source(%dma_start3A_80 : memref<10240x128xf32, #tpu.memory_space<hbm>>) target(%arg10 : memref<128x128xf32, #tpu.memory_space<vmem>>) offsets(%dma_start3A_77 : memref<128xi32, #tpu.memory_space<vmem>>) semaphore(%arg13 : memref<!tpu.dma_semaphore, #tpu.memory_space<semaphore_mem>>)
        "tpu.region"() ({
          %run_scoped3A = tpu.sem_alloc : memref<!tpu.dma_semaphore, #tpu.memory_space<semaphore_mem>>
          %dma_start3A_91 = arith.constant 0 : i32
          %dma_start3A_92 = tpu.memref_slice %arg8[%mul3A_67, %dma_start3A_91] : memref<40x128xi32, #tpu.memory_space<vmem>> -> memref<1x128xi32, #tpu.memory_space<vmem>>
          %dma_start3A_93 = tpu.memref_squeeze %dma_start3A_92 : memref<1x128xi32, #tpu.memory_space<vmem>> -> memref<128xi32, #tpu.memory_space<vmem>>
          %dma_start3A_94 = arith.constant 0 : i32
          %dma_start3A_95 = arith.constant 0 : i32
          %dma_start3A_96 = tpu.memref_slice %arg11[%dma_start3A_94, %dma_start3A_95] : memref<10240x128xf32, #tpu.memory_space<vmem_shared>> -> memref<10240x128xf32, #tpu.memory_space<vmem_shared>>
          tpu.enqueue_indirect_dma source(%arg9 : memref<128x128xf32, #tpu.memory_space<vmem>>) target(%dma_start3A_96 : memref<10240x128xf32, #tpu.memory_space<vmem_shared>>) offsets(%dma_start3A_93 : memref<128xi32, #tpu.memory_space<vmem>>) semaphore(%run_scoped3A : memref<!tpu.dma_semaphore, #tpu.memory_space<semaphore_mem>>) {add = true}
          %dma_wait3A_97 = arith.constant 0 : i32
          %dma_wait3A_98 = tpu.memref_slice %arg8[%mul3A_67, %dma_wait3A_97] : memref<40x128xi32, #tpu.memory_space<vmem>> -> memref<1x128xi32, #tpu.memory_space<vmem>>
          %dma_wait3A_99 = tpu.memref_squeeze %dma_wait3A_98 : memref<1x128xi32, #tpu.memory_space<vmem>> -> memref<128xi32, #tpu.memory_space<vmem>>
          %dma_wait3A_100 = arith.constant 0 : i32
          %dma_wait3A_101 = arith.constant 0 : i32
          %dma_wait3A_102 = tpu.memref_slice %arg11[%dma_wait3A_100, %dma_wait3A_101] : memref<10240x128xf32, #tpu.memory_space<vmem_shared>> -> memref<10240x128xf32, #tpu.memory_space<vmem_shared>>
          tpu.wait_indirect_dma semaphore(%run_scoped3A : memref<!tpu.dma_semaphore, #tpu.memory_space<semaphore_mem>>) src(%arg9 : memref<128x128xf32, #tpu.memory_space<vmem>>) dst(%dma_wait3A_102 : memref<10240x128xf32, #tpu.memory_space<vmem_shared>>)
          tpu.yield
        }) : () -> ()
        %dma_wait3A_81 = arith.constant 0 : i32
        %dma_wait3A_82 = tpu.memref_slice %arg7[%add3A_69, %dma_wait3A_81] : memref<40x128xi32, #tpu.memory_space<vmem>> -> memref<1x128xi32, #tpu.memory_space<vmem>>
        %dma_wait3A_83 = tpu.memref_squeeze %dma_wait3A_82 : memref<1x128xi32, #tpu.memory_space<vmem>> -> memref<128xi32, #tpu.memory_space<vmem>>
        %dma_wait3A_84 = arith.constant 0 : i32
        %dma_wait3A_85 = arith.constant 0 : i32
        %dma_wait3A_86 = tpu.memref_slice %arg4[%dma_wait3A_84, %dma_wait3A_85] : memref<10240x128xf32, #tpu.memory_space<hbm>> -> memref<10240x128xf32, #tpu.memory_space<hbm>>
        tpu.wait_indirect_dma semaphore(%arg13 : memref<!tpu.dma_semaphore, #tpu.memory_space<semaphore_mem>>) src(%dma_wait3A_86 : memref<10240x128xf32, #tpu.memory_space<hbm>>) dst(%arg10 : memref<128x128xf32, #tpu.memory_space<vmem>>)
        %add3A_87 = arith.constant 1 : i32
        %add3A_88 = arith.addi %add3A_69, %add3A_87 : i32
        %lt3A = arith.constant 40 : i32
        %lt3A_89 = arith.cmpi slt, %add3A_88, %lt3A : i32
        %convert_element_type3A = arith.extui %lt3A_89 : i1 to i32
        %cond3A = arith.constant 0 : i32
        %cond3A_90 = arith.cmpi ne, %convert_element_type3A, %cond3A : i32
        scf.if %cond3A_90 {
          %add3A_91 = arith.constant 1 : i32
          %add3A_92 = arith.addi %add3A_69, %add3A_91 : i32
          %dma_start3A_93 = arith.constant 0 : i32
          %dma_start3A_94 = tpu.memref_slice %arg7[%add3A_92, %dma_start3A_93] : memref<40x128xi32, #tpu.memory_space<vmem>> -> memref<1x128xi32, #tpu.memory_space<vmem>>
          %dma_start3A_95 = tpu.memref_squeeze %dma_start3A_94 : memref<1x128xi32, #tpu.memory_space<vmem>> -> memref<128xi32, #tpu.memory_space<vmem>>
          %dma_start3A_96 = arith.constant 0 : i32
          %dma_start3A_97 = arith.constant 0 : i32
          %dma_start3A_98 = tpu.memref_slice %arg4[%dma_start3A_96, %dma_start3A_97] : memref<10240x128xf32, #tpu.memory_space<hbm>> -> memref<10240x128xf32, #tpu.memory_space<hbm>>
          tpu.enqueue_indirect_dma source(%dma_start3A_98 : memref<10240x128xf32, #tpu.memory_space<hbm>>) target(%arg9 : memref<128x128xf32, #tpu.memory_space<vmem>>) offsets(%dma_start3A_95 : memref<128xi32, #tpu.memory_space<vmem>>) semaphore(%arg12 : memref<!tpu.dma_semaphore, #tpu.memory_space<semaphore_mem>>)
        } else {
        }
        "tpu.region"() ({
          %run_scoped3A = tpu.sem_alloc : memref<!tpu.dma_semaphore, #tpu.memory_space<semaphore_mem>>
          %dma_start3A_91 = arith.constant 0 : i32
          %dma_start3A_92 = tpu.memref_slice %arg8[%add3A_69, %dma_start3A_91] : memref<40x128xi32, #tpu.memory_space<vmem>> -> memref<1x128xi32, #tpu.memory_space<vmem>>
          %dma_start3A_93 = tpu.memref_squeeze %dma_start3A_92 : memref<1x128xi32, #tpu.memory_space<vmem>> -> memref<128xi32, #tpu.memory_space<vmem>>
          %dma_start3A_94 = arith.constant 0 : i32
          %dma_start3A_95 = arith.constant 0 : i32
          %dma_start3A_96 = tpu.memref_slice %arg11[%dma_start3A_94, %dma_start3A_95] : memref<10240x128xf32, #tpu.memory_space<vmem_shared>> -> memref<10240x128xf32, #tpu.memory_space<vmem_shared>>
          tpu.enqueue_indirect_dma source(%arg10 : memref<128x128xf32, #tpu.memory_space<vmem>>) target(%dma_start3A_96 : memref<10240x128xf32, #tpu.memory_space<vmem_shared>>) offsets(%dma_start3A_93 : memref<128xi32, #tpu.memory_space<vmem>>) semaphore(%run_scoped3A : memref<!tpu.dma_semaphore, #tpu.memory_space<semaphore_mem>>) {add = true}
          %dma_wait3A_97 = arith.constant 0 : i32
          %dma_wait3A_98 = tpu.memref_slice %arg8[%add3A_69, %dma_wait3A_97] : memref<40x128xi32, #tpu.memory_space<vmem>> -> memref<1x128xi32, #tpu.memory_space<vmem>>
          %dma_wait3A_99 = tpu.memref_squeeze %dma_wait3A_98 : memref<1x128xi32, #tpu.memory_space<vmem>> -> memref<128xi32, #tpu.memory_space<vmem>>
          %dma_wait3A_100 = arith.constant 0 : i32
          %dma_wait3A_101 = arith.constant 0 : i32
          %dma_wait3A_102 = tpu.memref_slice %arg11[%dma_wait3A_100, %dma_wait3A_101] : memref<10240x128xf32, #tpu.memory_space<vmem_shared>> -> memref<10240x128xf32, #tpu.memory_space<vmem_shared>>
          tpu.wait_indirect_dma semaphore(%run_scoped3A : memref<!tpu.dma_semaphore, #tpu.memory_space<semaphore_mem>>) src(%arg10 : memref<128x128xf32, #tpu.memory_space<vmem>>) dst(%dma_wait3A_102 : memref<10240x128xf32, #tpu.memory_space<vmem_shared>>)
          tpu.yield
        }) : () -> ()
      }
      %scan3A_64 = arith.constant 20 : i32
    }
    %scan3A_27 = arith.constant 2 : i32
    %barrier3A_28 = arith.constant 0 : index
    tpu.barrier barrier_id(%barrier3A_28)
    %mul3A_29 = arith.constant 640 : i32
    %mul3A_30 = arith.muli %arg1, %mul3A_29 : i32
    %add3A_31 = arith.constant 0 : i32
    %add3A_32 = arith.addi %mul3A_30, %add3A_31 : i32
    "tpu.region"() ({
      %run_scoped3A = tpu.sem_alloc : memref<!tpu.dma_semaphore, #tpu.memory_space<semaphore_mem>>
      %dma_start3A = arith.constant 0 : i32
      %dma_start3A_49 = tpu.memref_slice %arg11[%add3A_32, %dma_start3A] : memref<10240x128xf32, #tpu.memory_space<vmem_shared>> -> memref<128x128xf32, #tpu.memory_space<vmem_shared>>
      %dma_start3A_50 = arith.constant 0 : i32
      %dma_start3A_51 = tpu.memref_slice %arg11[%add3A_32, %dma_start3A_50] : memref<10240x128xf32, #tpu.memory_space<vmem_shared>> -> memref<128x128xf32, #tpu.memory_space<vmem_shared>>
      tpu.enqueue_dma source(%dma_start3A_51 : memref<128x128xf32, #tpu.memory_space<vmem_shared>>) target(%arg9 : memref<128x128xf32, #tpu.memory_space<vmem>>) target_semaphore(%run_scoped3A : memref<!tpu.dma_semaphore, #tpu.memory_space<semaphore_mem>>)
      %dma_wait3A = arith.constant 0 : i32
      %dma_wait3A_52 = tpu.memref_slice %arg11[%add3A_32, %dma_wait3A] : memref<10240x128xf32, #tpu.memory_space<vmem_shared>> -> memref<128x128xf32, #tpu.memory_space<vmem_shared>>
      %dma_wait3A_53 = arith.constant 0 : i32
      %dma_wait3A_54 = tpu.memref_slice %arg11[%add3A_32, %dma_wait3A_53] : memref<10240x128xf32, #tpu.memory_space<vmem_shared>> -> memref<128x128xf32, #tpu.memory_space<vmem_shared>>
      tpu.wait_dma2 semaphore(%run_scoped3A : memref<!tpu.dma_semaphore, #tpu.memory_space<semaphore_mem>>) src(%dma_wait3A_54 : memref<128x128xf32, #tpu.memory_space<vmem_shared>>) dst(%arg9 : memref<128x128xf32, #tpu.memory_space<vmem>>)
      tpu.yield
    }) : () -> ()
    "tpu.region"() ({
      %run_scoped3A = tpu.sem_alloc : memref<!tpu.dma_semaphore, #tpu.memory_space<semaphore_mem>>
      %dma_start3A = arith.constant 0 : i32
      %dma_start3A_49 = tpu.memref_slice %arg6[%arg0, %add3A_32, %dma_start3A] : memref<2x10240x128xf32, #tpu.memory_space<hbm>> -> memref<1x128x128xf32, #tpu.memory_space<hbm>>
      %dma_start3A_50 = tpu.memref_squeeze %dma_start3A_49 : memref<1x128x128xf32, #tpu.memory_space<hbm>> -> memref<128x128xf32, #tpu.memory_space<hbm>>
      %dma_start3A_51 = arith.constant 0 : i32
      %dma_start3A_52 = tpu.memref_slice %arg6[%arg0, %add3A_32, %dma_start3A_51] : memref<2x10240x128xf32, #tpu.memory_space<hbm>> -> memref<1x128x128xf32, #tpu.memory_space<hbm>>
      %dma_start3A_53 = tpu.memref_squeeze %dma_start3A_52 : memref<1x128x128xf32, #tpu.memory_space<hbm>> -> memref<128x128xf32, #tpu.memory_space<hbm>>
      tpu.enqueue_dma source(%arg9 : memref<128x128xf32, #tpu.memory_space<vmem>>) target(%dma_start3A_53 : memref<128x128xf32, #tpu.memory_space<hbm>>) target_semaphore(%run_scoped3A : memref<!tpu.dma_semaphore, #tpu.memory_space<semaphore_mem>>)
      %dma_wait3A = arith.constant 0 : i32
      %dma_wait3A_54 = tpu.memref_slice %arg6[%arg0, %add3A_32, %dma_wait3A] : memref<2x10240x128xf32, #tpu.memory_space<hbm>> -> memref<1x128x128xf32, #tpu.memory_space<hbm>>
      %dma_wait3A_55 = tpu.memref_squeeze %dma_wait3A_54 : memref<1x128x128xf32, #tpu.memory_space<hbm>> -> memref<128x128xf32, #tpu.memory_space<hbm>>
      %dma_wait3A_56 = arith.constant 0 : i32
      %dma_wait3A_57 = tpu.memref_slice %arg6[%arg0, %add3A_32, %dma_wait3A_56] : memref<2x10240x128xf32, #tpu.memory_space<hbm>> -> memref<1x128x128xf32, #tpu.memory_space<hbm>>
      %dma_wait3A_58 = tpu.memref_squeeze %dma_wait3A_57 : memref<1x128x128xf32, #tpu.memory_space<hbm>> -> memref<128x128xf32, #tpu.memory_space<hbm>>
      tpu.wait_dma2 semaphore(%run_scoped3A : memref<!tpu.dma_semaphore, #tpu.memory_space<semaphore_mem>>) src(%arg9 : memref<128x128xf32, #tpu.memory_space<vmem>>) dst(%dma_wait3A_58 : memref<128x128xf32, #tpu.memory_space<hbm>>)
      tpu.yield
    }) : () -> ()
    %mul3A_33 = arith.constant 640 : i32
    %mul3A_34 = arith.muli %arg1, %mul3A_33 : i32
    %add3A_35 = arith.constant 128 : i32
    %add3A_36 = arith.addi %mul3A_34, %add3A_35 : i32
    "tpu.region"() ({
      %run_scoped3A = tpu.sem_alloc : memref<!tpu.dma_semaphore, #tpu.memory_space<semaphore_mem>>
      %dma_start3A = arith.constant 0 : i32
      %dma_start3A_49 = tpu.memref_slice %arg11[%add3A_36, %dma_start3A] : memref<10240x128xf32, #tpu.memory_space<vmem_shared>> -> memref<128x128xf32, #tpu.memory_space<vmem_shared>>
      %dma_start3A_50 = arith.constant 0 : i32
      %dma_start3A_51 = tpu.memref_slice %arg11[%add3A_36, %dma_start3A_50] : memref<10240x128xf32, #tpu.memory_space<vmem_shared>> -> memref<128x128xf32, #tpu.memory_space<vmem_shared>>
      tpu.enqueue_dma source(%dma_start3A_51 : memref<128x128xf32, #tpu.memory_space<vmem_shared>>) target(%arg9 : memref<128x128xf32, #tpu.memory_space<vmem>>) target_semaphore(%run_scoped3A : memref<!tpu.dma_semaphore, #tpu.memory_space<semaphore_mem>>)
      %dma_wait3A = arith.constant 0 : i32
      %dma_wait3A_52 = tpu.memref_slice %arg11[%add3A_36, %dma_wait3A] : memref<10240x128xf32, #tpu.memory_space<vmem_shared>> -> memref<128x128xf32, #tpu.memory_space<vmem_shared>>
      %dma_wait3A_53 = arith.constant 0 : i32
      %dma_wait3A_54 = tpu.memref_slice %arg11[%add3A_36, %dma_wait3A_53] : memref<10240x128xf32, #tpu.memory_space<vmem_shared>> -> memref<128x128xf32, #tpu.memory_space<vmem_shared>>
      tpu.wait_dma2 semaphore(%run_scoped3A : memref<!tpu.dma_semaphore, #tpu.memory_space<semaphore_mem>>) src(%dma_wait3A_54 : memref<128x128xf32, #tpu.memory_space<vmem_shared>>) dst(%arg9 : memref<128x128xf32, #tpu.memory_space<vmem>>)
      tpu.yield
    }) : () -> ()
    "tpu.region"() ({
      %run_scoped3A = tpu.sem_alloc : memref<!tpu.dma_semaphore, #tpu.memory_space<semaphore_mem>>
      %dma_start3A = arith.constant 0 : i32
      %dma_start3A_49 = tpu.memref_slice %arg6[%arg0, %add3A_36, %dma_start3A] : memref<2x10240x128xf32, #tpu.memory_space<hbm>> -> memref<1x128x128xf32, #tpu.memory_space<hbm>>
      %dma_start3A_50 = tpu.memref_squeeze %dma_start3A_49 : memref<1x128x128xf32, #tpu.memory_space<hbm>> -> memref<128x128xf32, #tpu.memory_space<hbm>>
      %dma_start3A_51 = arith.constant 0 : i32
      %dma_start3A_52 = tpu.memref_slice %arg6[%arg0, %add3A_36, %dma_start3A_51] : memref<2x10240x128xf32, #tpu.memory_space<hbm>> -> memref<1x128x128xf32, #tpu.memory_space<hbm>>
      %dma_start3A_53 = tpu.memref_squeeze %dma_start3A_52 : memref<1x128x128xf32, #tpu.memory_space<hbm>> -> memref<128x128xf32, #tpu.memory_space<hbm>>
      tpu.enqueue_dma source(%arg9 : memref<128x128xf32, #tpu.memory_space<vmem>>) target(%dma_start3A_53 : memref<128x128xf32, #tpu.memory_space<hbm>>) target_semaphore(%run_scoped3A : memref<!tpu.dma_semaphore, #tpu.memory_space<semaphore_mem>>)
      %dma_wait3A = arith.constant 0 : i32
      %dma_wait3A_54 = tpu.memref_slice %arg6[%arg0, %add3A_36, %dma_wait3A] : memref<2x10240x128xf32, #tpu.memory_space<hbm>> -> memref<1x128x128xf32, #tpu.memory_space<hbm>>
      %dma_wait3A_55 = tpu.memref_squeeze %dma_wait3A_54 : memref<1x128x128xf32, #tpu.memory_space<hbm>> -> memref<128x128xf32, #tpu.memory_space<hbm>>
      %dma_wait3A_56 = arith.constant 0 : i32
      %dma_wait3A_57 = tpu.memref_slice %arg6[%arg0, %add3A_36, %dma_wait3A_56] : memref<2x10240x128xf32, #tpu.memory_space<hbm>> -> memref<1x128x128xf32, #tpu.memory_space<hbm>>
      %dma_wait3A_58 = tpu.memref_squeeze %dma_wait3A_57 : memref<1x128x128xf32, #tpu.memory_space<hbm>> -> memref<128x128xf32, #tpu.memory_space<hbm>>
      tpu.wait_dma2 semaphore(%run_scoped3A : memref<!tpu.dma_semaphore, #tpu.memory_space<semaphore_mem>>) src(%arg9 : memref<128x128xf32, #tpu.memory_space<vmem>>) dst(%dma_wait3A_58 : memref<128x128xf32, #tpu.memory_space<hbm>>)
      tpu.yield
    }) : () -> ()
    %mul3A_37 = arith.constant 640 : i32
    %mul3A_38 = arith.muli %arg1, %mul3A_37 : i32
    %add3A_39 = arith.constant 256 : i32
    %add3A_40 = arith.addi %mul3A_38, %add3A_39 : i32
    "tpu.region"() ({
      %run_scoped3A = tpu.sem_alloc : memref<!tpu.dma_semaphore, #tpu.memory_space<semaphore_mem>>
      %dma_start3A = arith.constant 0 : i32
      %dma_start3A_49 = tpu.memref_slice %arg11[%add3A_40, %dma_start3A] : memref<10240x128xf32, #tpu.memory_space<vmem_shared>> -> memref<128x128xf32, #tpu.memory_space<vmem_shared>>
      %dma_start3A_50 = arith.constant 0 : i32
      %dma_start3A_51 = tpu.memref_slice %arg11[%add3A_40, %dma_start3A_50] : memref<10240x128xf32, #tpu.memory_space<vmem_shared>> -> memref<128x128xf32, #tpu.memory_space<vmem_shared>>
      tpu.enqueue_dma source(%dma_start3A_51 : memref<128x128xf32, #tpu.memory_space<vmem_shared>>) target(%arg9 : memref<128x128xf32, #tpu.memory_space<vmem>>) target_semaphore(%run_scoped3A : memref<!tpu.dma_semaphore, #tpu.memory_space<semaphore_mem>>)
      %dma_wait3A = arith.constant 0 : i32
      %dma_wait3A_52 = tpu.memref_slice %arg11[%add3A_40, %dma_wait3A] : memref<10240x128xf32, #tpu.memory_space<vmem_shared>> -> memref<128x128xf32, #tpu.memory_space<vmem_shared>>
      %dma_wait3A_53 = arith.constant 0 : i32
      %dma_wait3A_54 = tpu.memref_slice %arg11[%add3A_40, %dma_wait3A_53] : memref<10240x128xf32, #tpu.memory_space<vmem_shared>> -> memref<128x128xf32, #tpu.memory_space<vmem_shared>>
      tpu.wait_dma2 semaphore(%run_scoped3A : memref<!tpu.dma_semaphore, #tpu.memory_space<semaphore_mem>>) src(%dma_wait3A_54 : memref<128x128xf32, #tpu.memory_space<vmem_shared>>) dst(%arg9 : memref<128x128xf32, #tpu.memory_space<vmem>>)
      tpu.yield
    }) : () -> ()
    "tpu.region"() ({
      %run_scoped3A = tpu.sem_alloc : memref<!tpu.dma_semaphore, #tpu.memory_space<semaphore_mem>>
      %dma_start3A = arith.constant 0 : i32
      %dma_start3A_49 = tpu.memref_slice %arg6[%arg0, %add3A_40, %dma_start3A] : memref<2x10240x128xf32, #tpu.memory_space<hbm>> -> memref<1x128x128xf32, #tpu.memory_space<hbm>>
      %dma_start3A_50 = tpu.memref_squeeze %dma_start3A_49 : memref<1x128x128xf32, #tpu.memory_space<hbm>> -> memref<128x128xf32, #tpu.memory_space<hbm>>
      %dma_start3A_51 = arith.constant 0 : i32
      %dma_start3A_52 = tpu.memref_slice %arg6[%arg0, %add3A_40, %dma_start3A_51] : memref<2x10240x128xf32, #tpu.memory_space<hbm>> -> memref<1x128x128xf32, #tpu.memory_space<hbm>>
      %dma_start3A_53 = tpu.memref_squeeze %dma_start3A_52 : memref<1x128x128xf32, #tpu.memory_space<hbm>> -> memref<128x128xf32, #tpu.memory_space<hbm>>
      tpu.enqueue_dma source(%arg9 : memref<128x128xf32, #tpu.memory_space<vmem>>) target(%dma_start3A_53 : memref<128x128xf32, #tpu.memory_space<hbm>>) target_semaphore(%run_scoped3A : memref<!tpu.dma_semaphore, #tpu.memory_space<semaphore_mem>>)
      %dma_wait3A = arith.constant 0 : i32
      %dma_wait3A_54 = tpu.memref_slice %arg6[%arg0, %add3A_40, %dma_wait3A] : memref<2x10240x128xf32, #tpu.memory_space<hbm>> -> memref<1x128x128xf32, #tpu.memory_space<hbm>>
      %dma_wait3A_55 = tpu.memref_squeeze %dma_wait3A_54 : memref<1x128x128xf32, #tpu.memory_space<hbm>> -> memref<128x128xf32, #tpu.memory_space<hbm>>
      %dma_wait3A_56 = arith.constant 0 : i32
      %dma_wait3A_57 = tpu.memref_slice %arg6[%arg0, %add3A_40, %dma_wait3A_56] : memref<2x10240x128xf32, #tpu.memory_space<hbm>> -> memref<1x128x128xf32, #tpu.memory_space<hbm>>
      %dma_wait3A_58 = tpu.memref_squeeze %dma_wait3A_57 : memref<1x128x128xf32, #tpu.memory_space<hbm>> -> memref<128x128xf32, #tpu.memory_space<hbm>>
      tpu.wait_dma2 semaphore(%run_scoped3A : memref<!tpu.dma_semaphore, #tpu.memory_space<semaphore_mem>>) src(%arg9 : memref<128x128xf32, #tpu.memory_space<vmem>>) dst(%dma_wait3A_58 : memref<128x128xf32, #tpu.memory_space<hbm>>)
      tpu.yield
    }) : () -> ()
    %mul3A_41 = arith.constant 640 : i32
    %mul3A_42 = arith.muli %arg1, %mul3A_41 : i32
    %add3A_43 = arith.constant 384 : i32
    %add3A_44 = arith.addi %mul3A_42, %add3A_43 : i32
    "tpu.region"() ({
      %run_scoped3A = tpu.sem_alloc : memref<!tpu.dma_semaphore, #tpu.memory_space<semaphore_mem>>
      %dma_start3A = arith.constant 0 : i32
      %dma_start3A_49 = tpu.memref_slice %arg11[%add3A_44, %dma_start3A] : memref<10240x128xf32, #tpu.memory_space<vmem_shared>> -> memref<128x128xf32, #tpu.memory_space<vmem_shared>>
      %dma_start3A_50 = arith.constant 0 : i32
      %dma_start3A_51 = tpu.memref_slice %arg11[%add3A_44, %dma_start3A_50] : memref<10240x128xf32, #tpu.memory_space<vmem_shared>> -> memref<128x128xf32, #tpu.memory_space<vmem_shared>>
      tpu.enqueue_dma source(%dma_start3A_51 : memref<128x128xf32, #tpu.memory_space<vmem_shared>>) target(%arg9 : memref<128x128xf32, #tpu.memory_space<vmem>>) target_semaphore(%run_scoped3A : memref<!tpu.dma_semaphore, #tpu.memory_space<semaphore_mem>>)
      %dma_wait3A = arith.constant 0 : i32
      %dma_wait3A_52 = tpu.memref_slice %arg11[%add3A_44, %dma_wait3A] : memref<10240x128xf32, #tpu.memory_space<vmem_shared>> -> memref<128x128xf32, #tpu.memory_space<vmem_shared>>
      %dma_wait3A_53 = arith.constant 0 : i32
      %dma_wait3A_54 = tpu.memref_slice %arg11[%add3A_44, %dma_wait3A_53] : memref<10240x128xf32, #tpu.memory_space<vmem_shared>> -> memref<128x128xf32, #tpu.memory_space<vmem_shared>>
      tpu.wait_dma2 semaphore(%run_scoped3A : memref<!tpu.dma_semaphore, #tpu.memory_space<semaphore_mem>>) src(%dma_wait3A_54 : memref<128x128xf32, #tpu.memory_space<vmem_shared>>) dst(%arg9 : memref<128x128xf32, #tpu.memory_space<vmem>>)
      tpu.yield
    }) : () -> ()
    "tpu.region"() ({
      %run_scoped3A = tpu.sem_alloc : memref<!tpu.dma_semaphore, #tpu.memory_space<semaphore_mem>>
      %dma_start3A = arith.constant 0 : i32
      %dma_start3A_49 = tpu.memref_slice %arg6[%arg0, %add3A_44, %dma_start3A] : memref<2x10240x128xf32, #tpu.memory_space<hbm>> -> memref<1x128x128xf32, #tpu.memory_space<hbm>>
      %dma_start3A_50 = tpu.memref_squeeze %dma_start3A_49 : memref<1x128x128xf32, #tpu.memory_space<hbm>> -> memref<128x128xf32, #tpu.memory_space<hbm>>
      %dma_start3A_51 = arith.constant 0 : i32
      %dma_start3A_52 = tpu.memref_slice %arg6[%arg0, %add3A_44, %dma_start3A_51] : memref<2x10240x128xf32, #tpu.memory_space<hbm>> -> memref<1x128x128xf32, #tpu.memory_space<hbm>>
      %dma_start3A_53 = tpu.memref_squeeze %dma_start3A_52 : memref<1x128x128xf32, #tpu.memory_space<hbm>> -> memref<128x128xf32, #tpu.memory_space<hbm>>
      tpu.enqueue_dma source(%arg9 : memref<128x128xf32, #tpu.memory_space<vmem>>) target(%dma_start3A_53 : memref<128x128xf32, #tpu.memory_space<hbm>>) target_semaphore(%run_scoped3A : memref<!tpu.dma_semaphore, #tpu.memory_space<semaphore_mem>>)
      %dma_wait3A = arith.constant 0 : i32
      %dma_wait3A_54 = tpu.memref_slice %arg6[%arg0, %add3A_44, %dma_wait3A] : memref<2x10240x128xf32, #tpu.memory_space<hbm>> -> memref<1x128x128xf32, #tpu.memory_space<hbm>>
      %dma_wait3A_55 = tpu.memref_squeeze %dma_wait3A_54 : memref<1x128x128xf32, #tpu.memory_space<hbm>> -> memref<128x128xf32, #tpu.memory_space<hbm>>
      %dma_wait3A_56 = arith.constant 0 : i32
      %dma_wait3A_57 = tpu.memref_slice %arg6[%arg0, %add3A_44, %dma_wait3A_56] : memref<2x10240x128xf32, #tpu.memory_space<hbm>> -> memref<1x128x128xf32, #tpu.memory_space<hbm>>
      %dma_wait3A_58 = tpu.memref_squeeze %dma_wait3A_57 : memref<1x128x128xf32, #tpu.memory_space<hbm>> -> memref<128x128xf32, #tpu.memory_space<hbm>>
      tpu.wait_dma2 semaphore(%run_scoped3A : memref<!tpu.dma_semaphore, #tpu.memory_space<semaphore_mem>>) src(%arg9 : memref<128x128xf32, #tpu.memory_space<vmem>>) dst(%dma_wait3A_58 : memref<128x128xf32, #tpu.memory_space<hbm>>)
      tpu.yield
    }) : () -> ()
    %mul3A_45 = arith.constant 640 : i32
    %mul3A_46 = arith.muli %arg1, %mul3A_45 : i32
    %add3A_47 = arith.constant 512 : i32
    %add3A_48 = arith.addi %mul3A_46, %add3A_47 : i32
    "tpu.region"() ({
      %run_scoped3A = tpu.sem_alloc : memref<!tpu.dma_semaphore, #tpu.memory_space<semaphore_mem>>
      %dma_start3A = arith.constant 0 : i32
      %dma_start3A_49 = tpu.memref_slice %arg11[%add3A_48, %dma_start3A] : memref<10240x128xf32, #tpu.memory_space<vmem_shared>> -> memref<128x128xf32, #tpu.memory_space<vmem_shared>>
      %dma_start3A_50 = arith.constant 0 : i32
      %dma_start3A_51 = tpu.memref_slice %arg11[%add3A_48, %dma_start3A_50] : memref<10240x128xf32, #tpu.memory_space<vmem_shared>> -> memref<128x128xf32, #tpu.memory_space<vmem_shared>>
      tpu.enqueue_dma source(%dma_start3A_51 : memref<128x128xf32, #tpu.memory_space<vmem_shared>>) target(%arg9 : memref<128x128xf32, #tpu.memory_space<vmem>>) target_semaphore(%run_scoped3A : memref<!tpu.dma_semaphore, #tpu.memory_space<semaphore_mem>>)
      %dma_wait3A = arith.constant 0 : i32
      %dma_wait3A_52 = tpu.memref_slice %arg11[%add3A_48, %dma_wait3A] : memref<10240x128xf32, #tpu.memory_space<vmem_shared>> -> memref<128x128xf32, #tpu.memory_space<vmem_shared>>
      %dma_wait3A_53 = arith.constant 0 : i32
      %dma_wait3A_54 = tpu.memref_slice %arg11[%add3A_48, %dma_wait3A_53] : memref<10240x128xf32, #tpu.memory_space<vmem_shared>> -> memref<128x128xf32, #tpu.memory_space<vmem_shared>>
      tpu.wait_dma2 semaphore(%run_scoped3A : memref<!tpu.dma_semaphore, #tpu.memory_space<semaphore_mem>>) src(%dma_wait3A_54 : memref<128x128xf32, #tpu.memory_space<vmem_shared>>) dst(%arg9 : memref<128x128xf32, #tpu.memory_space<vmem>>)
      tpu.yield
    }) : () -> ()
    "tpu.region"() ({
      %run_scoped3A = tpu.sem_alloc : memref<!tpu.dma_semaphore, #tpu.memory_space<semaphore_mem>>
      %dma_start3A = arith.constant 0 : i32
      %dma_start3A_49 = tpu.memref_slice %arg6[%arg0, %add3A_48, %dma_start3A] : memref<2x10240x128xf32, #tpu.memory_space<hbm>> -> memref<1x128x128xf32, #tpu.memory_space<hbm>>
      %dma_start3A_50 = tpu.memref_squeeze %dma_start3A_49 : memref<1x128x128xf32, #tpu.memory_space<hbm>> -> memref<128x128xf32, #tpu.memory_space<hbm>>
      %dma_start3A_51 = arith.constant 0 : i32
      %dma_start3A_52 = tpu.memref_slice %arg6[%arg0, %add3A_48, %dma_start3A_51] : memref<2x10240x128xf32, #tpu.memory_space<hbm>> -> memref<1x128x128xf32, #tpu.memory_space<hbm>>
      %dma_start3A_53 = tpu.memref_squeeze %dma_start3A_52 : memref<1x128x128xf32, #tpu.memory_space<hbm>> -> memref<128x128xf32, #tpu.memory_space<hbm>>
      tpu.enqueue_dma source(%arg9 : memref<128x128xf32, #tpu.memory_space<vmem>>) target(%dma_start3A_53 : memref<128x128xf32, #tpu.memory_space<hbm>>) target_semaphore(%run_scoped3A : memref<!tpu.dma_semaphore, #tpu.memory_space<semaphore_mem>>)
      %dma_wait3A = arith.constant 0 : i32
      %dma_wait3A_54 = tpu.memref_slice %arg6[%arg0, %add3A_48, %dma_wait3A] : memref<2x10240x128xf32, #tpu.memory_space<hbm>> -> memref<1x128x128xf32, #tpu.memory_space<hbm>>
      %dma_wait3A_55 = tpu.memref_squeeze %dma_wait3A_54 : memref<1x128x128xf32, #tpu.memory_space<hbm>> -> memref<128x128xf32, #tpu.memory_space<hbm>>
      %dma_wait3A_56 = arith.constant 0 : i32
      %dma_wait3A_57 = tpu.memref_slice %arg6[%arg0, %add3A_48, %dma_wait3A_56] : memref<2x10240x128xf32, #tpu.memory_space<hbm>> -> memref<1x128x128xf32, #tpu.memory_space<hbm>>
      %dma_wait3A_58 = tpu.memref_squeeze %dma_wait3A_57 : memref<1x128x128xf32, #tpu.memory_space<hbm>> -> memref<128x128xf32, #tpu.memory_space<hbm>>
      tpu.wait_dma2 semaphore(%run_scoped3A : memref<!tpu.dma_semaphore, #tpu.memory_space<semaphore_mem>>) src(%arg9 : memref<128x128xf32, #tpu.memory_space<vmem>>) dst(%dma_wait3A_58 : memref<128x128xf32, #tpu.memory_space<hbm>>)
      tpu.yield
    }) : () -> ()
    return
  }
}

module attributes {stable_mosaic.version = 14 : i64} {
  func.func @_split_body(%arg0: i32, %arg1: memref<2x32768xi32, #tpu.memory_space<vmem>>, %arg2: memref<256x128xi32, #tpu.memory_space<vmem>>, %arg3: memref<256x128xi32, #tpu.memory_space<vmem>>) attributes {dimension_semantics = [#tpu.dimension_semantics<arbitrary>], iteration_bounds = array<i64: 10>, scalar_prefetch = 0 : i64, scratch_operands = 0 : i64, tpu.core_type = #tpu.core_type<tc>, window_params = [{transform_indices = @transform_0, window_bounds = array<i64: 2, 32768>}, {transform_indices = @transform_1, window_bounds = array<i64: 256, 128>}, {transform_indices = @transform_2, window_bounds = array<i64: 256, 128>}]} {
    %get3A = arith.constant 0 : index
    %get3A_0 = arith.constant 0 : index
    %get3A_1 = vector.load %arg1[%get3A, %get3A_0] : memref<2x32768xi32, #tpu.memory_space<vmem>>, vector<2x32768xi32>
    %slice3A = vector.extract_strided_slice %get3A_1 {offsets = [0, 0], sizes = [1, 32768], strides = [1, 1]} : vector<2x32768xi32> to vector<1x32768xi32>
    %reshape3A = vector.shape_cast %slice3A : vector<1x32768xi32> to vector<256x128xi32>
    %slice3A_2 = vector.extract_strided_slice %get3A_1 {offsets = [1, 0], sizes = [1, 32768], strides = [1, 1]} : vector<2x32768xi32> to vector<1x32768xi32>
    %reshape3A_3 = vector.shape_cast %slice3A_2 : vector<1x32768xi32> to vector<256x128xi32>
    %mul3A = arith.constant 256 : i32
    %mul3A_4 = arith.muli %arg0, %mul3A : i32
    %iota3A = tpu.iota {dimensions = array<i32: 0>} : vector<256x128xi32>
    %add3A = vector.broadcast %mul3A_4 : i32 to vector<256x128xi32>
    %add3A_5 = arith.addi %add3A, %iota3A : vector<256x128xi32>
    %iota3A_6 = tpu.iota {dimensions = array<i32: 1>} : vector<256x128xi32>
    %add3A_7 = arith.constant 10000 : i32
    %add3A_8 = vector.broadcast %add3A_7 : i32 to vector<256x128xi32>
    %add3A_9 = arith.addi %add3A_8, %iota3A_6 : vector<256x128xi32>
    %lt3A = arith.constant 2500 : i32
    %lt3A_10 = vector.broadcast %lt3A : i32 to vector<256x128xi32>
    %lt3A_11 = arith.cmpi slt, %add3A_5, %lt3A_10 : vector<256x128xi32>
    %select_n3A = arith.select %lt3A_11, %reshape3A, %add3A_9 : vector<256x128xi1>, vector<256x128xi32>
    %swap3A = arith.constant 0 : index
    %swap3A_12 = arith.constant 0 : index
    %swap3A_13 = vector.load %arg2[%swap3A, %swap3A_12] : memref<256x128xi32, #tpu.memory_space<vmem>>, vector<256x128xi32>
    tpu.vector_store %arg2[%swap3A, %swap3A_12], %select_n3A {strides = array<i32>} : memref<256x128xi32, #tpu.memory_space<vmem>>, vector<256x128xi32>,
    %select_n3A_14 = arith.select %lt3A_11, %reshape3A_3, %add3A_9 : vector<256x128xi1>, vector<256x128xi32>
    %swap3A_15 = arith.constant 0 : index
    %swap3A_16 = arith.constant 0 : index
    %swap3A_17 = vector.load %arg3[%swap3A_15, %swap3A_16] : memref<256x128xi32, #tpu.memory_space<vmem>>, vector<256x128xi32>
    tpu.vector_store %arg3[%swap3A_15, %swap3A_16], %select_n3A_14 {strides = array<i32>} : memref<256x128xi32, #tpu.memory_space<vmem>>, vector<256x128xi32>,
    return
  }
  func.func @transform_0(%arg0: i32) -> (i32, i32) {
    %c0_i32 = arith.constant 0 : i32
    %c0_i32_0 = arith.constant 0 : i32
    return %c0_i32, %arg0 : i32, i32
  }
  func.func @transform_1(%arg0: i32) -> (i32, i32) {
    %c0_i32 = arith.constant 0 : i32
    %c0_i32_0 = arith.constant 0 : i32
    return %arg0, %c0_i32 : i32, i32
  }
  func.func @transform_2(%arg0: i32) -> (i32, i32) {
    %c0_i32 = arith.constant 0 : i32
    %c0_i32_0 = arith.constant 0 : i32
    return %arg0, %c0_i32 : i32, i32
  }
}

module attributes {stable_mosaic.version = 14 : i64} {
  func.func @_scale_body(%arg0: i32, %arg1: memref<32x2048xf32, #tpu.memory_space<vmem>>, %arg2: memref<2048x128xf32, #tpu.memory_space<vmem>>, %arg3: memref<2048x128xf32, #tpu.memory_space<vmem>>, %arg4: memref<2048x1xf32, #tpu.memory_space<vmem>>) attributes {dimension_semantics = [#tpu.dimension_semantics<arbitrary>], iteration_bounds = array<i64: 5>, scalar_prefetch = 0 : i64, scratch_operands = 0 : i64, tpu.core_type = #tpu.core_type<tc>, window_params = [{transform_indices = @transform_0, window_bounds = array<i64: 32, 2048>}, {transform_indices = @transform_1, window_bounds = array<i64: 2048, 128>}, {transform_indices = @transform_2, window_bounds = array<i64: 2048, 128>}, {transform_indices = @transform_3, window_bounds = array<i64: 2048, 1>}]} {
    %get3A = arith.constant 0 : index
    %get3A_0 = arith.constant 0 : index
    %get3A_1 = vector.load %arg1[%get3A, %get3A_0] : memref<32x2048xf32, #tpu.memory_space<vmem>>, vector<32x2048xf32>
    %reduce_sum3A = arith.constant dense<0.000000e+00> : vector<2048xf32>
    %reduce_sum3A_2 = vector.multi_reduction <add>, %get3A_1, %reduce_sum3A [0] : vector<32x2048xf32> to vector<2048xf32>
    %broadcast_in_dim3A = vector.shape_cast %reduce_sum3A_2 : vector<2048xf32> to vector<1x2048xf32>
    %add3A = arith.constant 1.000000e+00 : f32
    %add3A_3 = vector.broadcast %add3A : f32 to vector<1x2048xf32>
    %add3A_4 = arith.addf %broadcast_in_dim3A, %add3A_3 : vector<1x2048xf32>
    %rsqrt3A = math.rsqrt %add3A_4 : vector<1x2048xf32>
    %reshape3A = vector.shape_cast %rsqrt3A : vector<1x2048xf32> to vector<2048x1xf32>
    %swap3A = arith.constant 0 : index
    %swap3A_5 = arith.constant 0 : index
    %swap3A_6 = vector.load %arg4[%swap3A, %swap3A_5] : memref<2048x1xf32, #tpu.memory_space<vmem>>, vector<2048x1xf32>
    tpu.vector_store %arg4[%swap3A, %swap3A_5], %reshape3A {strides = array<i32>} : memref<2048x1xf32, #tpu.memory_space<vmem>>, vector<2048x1xf32>,
    %get3A_7 = arith.constant 0 : index
    %get3A_8 = arith.constant 0 : index
    %get3A_9 = vector.load %arg2[%get3A_7, %get3A_8] : memref<2048x128xf32, #tpu.memory_space<vmem>>, vector<2048x128xf32>
    %mul3A = vector.broadcast %reshape3A : vector<2048x1xf32> to vector<2048x128xf32>
    %mul3A_10 = arith.mulf %get3A_9, %mul3A : vector<2048x128xf32>
    %swap3A_11 = arith.constant 0 : index
    %swap3A_12 = arith.constant 0 : index
    %swap3A_13 = vector.load %arg3[%swap3A_11, %swap3A_12] : memref<2048x128xf32, #tpu.memory_space<vmem>>, vector<2048x128xf32>
    tpu.vector_store %arg3[%swap3A_11, %swap3A_12], %mul3A_10 {strides = array<i32>} : memref<2048x128xf32, #tpu.memory_space<vmem>>, vector<2048x128xf32>,
    return
  }
  func.func @transform_0(%arg0: i32) -> (i32, i32) {
    %c0_i32 = arith.constant 0 : i32
    %c0_i32_0 = arith.constant 0 : i32
    return %c0_i32, %arg0 : i32, i32
  }
  func.func @transform_1(%arg0: i32) -> (i32, i32) {
    %c0_i32 = arith.constant 0 : i32
    %c0_i32_0 = arith.constant 0 : i32
    return %arg0, %c0_i32 : i32, i32
  }
  func.func @transform_2(%arg0: i32) -> (i32, i32) {
    %c0_i32 = arith.constant 0 : i32
    %c0_i32_0 = arith.constant 0 : i32
    return %arg0, %c0_i32 : i32, i32
  }
  func.func @transform_3(%arg0: i32) -> (i32, i32) {
    %c0_i32 = arith.constant 0 : i32
    %c0_i32_0 = arith.constant 0 : i32
    return %arg0, %c0_i32 : i32, i32
  }
}

module attributes {stable_mosaic.version = 14 : i64} {
  func.func @_mm_body(%arg0: i32, %arg1: memref<2048x128xf32, #tpu.memory_space<vmem>>, %arg2: memref<128x128xf32, #tpu.memory_space<vmem>>, %arg3: memref<2048x128xf32, #tpu.memory_space<vmem>>) attributes {dimension_semantics = [#tpu.dimension_semantics<arbitrary>], iteration_bounds = array<i64: 5>, scalar_prefetch = 0 : i64, scratch_operands = 0 : i64, tpu.core_type = #tpu.core_type<tc>, window_params = [{transform_indices = @transform_0, window_bounds = array<i64: 2048, 128>}, {pipeline_mode = #tpu.pipeline_mode<synchronous>, transform_indices = @transform_1, window_bounds = array<i64: 128, 128>}, {transform_indices = @transform_2, window_bounds = array<i64: 2048, 128>}]} {
    %get3A = arith.constant 0 : index
    %get3A_0 = arith.constant 0 : index
    %get3A_1 = vector.load %arg1[%get3A, %get3A_0] : memref<2048x128xf32, #tpu.memory_space<vmem>>, vector<2048x128xf32>
    %get3A_2 = arith.constant 0 : index
    %get3A_3 = arith.constant 0 : index
    %get3A_4 = vector.load %arg2[%get3A_2, %get3A_3] : memref<128x128xf32, #tpu.memory_space<vmem>>, vector<128x128xf32>
    %dot_general3A = arith.constant dense<0.000000e+00> : vector<2048x128xf32>
    %dot_general3A_5 = tpu.matmul %get3A_1, %get3A_4, %dot_general3A {dimension_numbers = #tpu.dot_dimension_numbers<[1], [1], [0], [0], [0, 0, 1, 0], [], []>, transpose_lhs_hint = false} : vector<2048x128xf32>, vector<128x128xf32>, vector<2048x128xf32> -> vector<2048x128xf32>
    %swap3A = arith.constant 0 : index
    %swap3A_6 = arith.constant 0 : index
    %swap3A_7 = vector.load %arg3[%swap3A, %swap3A_6] : memref<2048x128xf32, #tpu.memory_space<vmem>>, vector<2048x128xf32>
    tpu.vector_store %arg3[%swap3A, %swap3A_6], %dot_general3A_5 {strides = array<i32>} : memref<2048x128xf32, #tpu.memory_space<vmem>>, vector<2048x128xf32>,
    return
  }
  func.func @transform_0(%arg0: i32) -> (i32, i32) {
    %c0_i32 = arith.constant 0 : i32
    %c0_i32_0 = arith.constant 0 : i32
    return %arg0, %c0_i32 : i32, i32
  }
  func.func @transform_1(%arg0: i32) -> (i32, i32) {
    %c0_i32 = arith.constant 0 : i32
    %c0_i32_0 = arith.constant 0 : i32
    %c0_i32_1 = arith.constant 0 : i32
    return %c0_i32, %c0_i32_0 : i32, i32
  }
  func.func @transform_2(%arg0: i32) -> (i32, i32) {
    %c0_i32 = arith.constant 0 : i32
    %c0_i32_0 = arith.constant 0 : i32
    return %arg0, %c0_i32 : i32, i32
  }
}

module attributes {stable_mosaic.version = 14 : i64} {
  func.func @_final_body(%arg0: i32, %arg1: memref<2x2048x128xf32, #tpu.memory_space<vmem>>, %arg2: memref<2048x128xf32, #tpu.memory_space<vmem>>, %arg3: memref<2048x1xf32, #tpu.memory_space<vmem>>, %arg4: memref<2048x128xf32, #tpu.memory_space<vmem>>, %arg5: memref<1x128xf32, #tpu.memory_space<vmem>>, %arg6: memref<2048x128xf32, #tpu.memory_space<vmem>>) attributes {dimension_semantics = [#tpu.dimension_semantics<arbitrary>], iteration_bounds = array<i64: 5>, scalar_prefetch = 0 : i64, scratch_operands = 0 : i64, tpu.core_type = #tpu.core_type<tc>, window_params = [{transform_indices = @transform_0, window_bounds = array<i64: 2, 2048, 128>}, {transform_indices = @transform_1, window_bounds = array<i64: 2048, 128>}, {transform_indices = @transform_2, window_bounds = array<i64: 2048, 1>}, {transform_indices = @transform_3, window_bounds = array<i64: 2048, 128>}, {pipeline_mode = #tpu.pipeline_mode<synchronous>, transform_indices = @transform_4, window_bounds = array<i64: 1, 128>}, {transform_indices = @transform_5, window_bounds = array<i64: 2048, 128>}]} {
    %get3A = arith.constant 0 : index
    %get3A_0 = arith.constant 0 : index
    %get3A_1 = arith.constant 0 : index
    %get3A_2 = vector.load %arg1[%get3A, %get3A_0, %get3A_1] : memref<2x2048x128xf32, #tpu.memory_space<vmem>>, vector<1x2048x128xf32>
    %get3A_3 = vector.shape_cast %get3A_2 : vector<1x2048x128xf32> to vector<2048x128xf32>
    %get3A_4 = arith.constant 1 : index
    %get3A_5 = arith.constant 0 : index
    %get3A_6 = arith.constant 0 : index
    %get3A_7 = vector.load %arg1[%get3A_4, %get3A_5, %get3A_6] : memref<2x2048x128xf32, #tpu.memory_space<vmem>>, vector<1x2048x128xf32>
    %get3A_8 = vector.shape_cast %get3A_7 : vector<1x2048x128xf32> to vector<2048x128xf32>
    %add3A = arith.addf %get3A_3, %get3A_8 : vector<2048x128xf32>
    %get3A_9 = arith.constant 0 : index
    %get3A_10 = arith.constant 0 : index
    %get3A_11 = vector.load %arg2[%get3A_9, %get3A_10] : memref<2048x128xf32, #tpu.memory_space<vmem>>, vector<2048x128xf32>
    %add3A_12 = arith.addf %add3A, %get3A_11 : vector<2048x128xf32>
    %get3A_13 = arith.constant 0 : index
    %get3A_14 = arith.constant 0 : index
    %get3A_15 = vector.load %arg4[%get3A_13, %get3A_14] : memref<2048x128xf32, #tpu.memory_space<vmem>>, vector<2048x128xf32>
    %get3A_16 = arith.constant 0 : index
    %get3A_17 = arith.constant 0 : index
    %get3A_18 = vector.load %arg3[%get3A_16, %get3A_17] : memref<2048x1xf32, #tpu.memory_space<vmem>>, vector<2048x1xf32>
    %mul3A = vector.broadcast %get3A_18 : vector<2048x1xf32> to vector<2048x128xf32>
    %mul3A_19 = arith.mulf %add3A_12, %mul3A : vector<2048x128xf32>
    %get3A_20 = arith.constant 0 : index
    %get3A_21 = arith.constant 0 : index
    %get3A_22 = vector.load %arg5[%get3A_20, %get3A_21] : memref<1x128xf32, #tpu.memory_space<vmem>>, vector<1x128xf32>
    %add3A_23 = vector.broadcast %get3A_22 : vector<1x128xf32> to vector<2048x128xf32>
    %add3A_24 = arith.addf %mul3A_19, %add3A_23 : vector<2048x128xf32>
    %max3A = arith.constant 0.000000e+00 : f32
    %max3A_25 = vector.broadcast %max3A : f32 to vector<2048x128xf32>
    %max3A_26 = arith.maximumf %add3A_24, %max3A_25 : vector<2048x128xf32>
    %add3A_27 = arith.addf %get3A_15, %max3A_26 : vector<2048x128xf32>
    %swap3A = arith.constant 0 : index
    %swap3A_28 = arith.constant 0 : index
    %swap3A_29 = vector.load %arg6[%swap3A, %swap3A_28] : memref<2048x128xf32, #tpu.memory_space<vmem>>, vector<2048x128xf32>
    tpu.vector_store %arg6[%swap3A, %swap3A_28], %add3A_27 {strides = array<i32>} : memref<2048x128xf32, #tpu.memory_space<vmem>>, vector<2048x128xf32>,
    return
  }
  func.func @transform_0(%arg0: i32) -> (i32, i32, i32) {
    %c0_i32 = arith.constant 0 : i32
    %c0_i32_0 = arith.constant 0 : i32
    %c0_i32_1 = arith.constant 0 : i32
    return %c0_i32, %arg0, %c0_i32_0 : i32, i32, i32
  }
  func.func @transform_1(%arg0: i32) -> (i32, i32) {
    %c0_i32 = arith.constant 0 : i32
    %c0_i32_0 = arith.constant 0 : i32
    return %arg0, %c0_i32 : i32, i32
  }
  func.func @transform_2(%arg0: i32) -> (i32, i32) {
    %c0_i32 = arith.constant 0 : i32
    %c0_i32_0 = arith.constant 0 : i32
    return %arg0, %c0_i32 : i32, i32
  }
  func.func @transform_3(%arg0: i32) -> (i32, i32) {
    %c0_i32 = arith.constant 0 : i32
    %c0_i32_0 = arith.constant 0 : i32
    return %arg0, %c0_i32 : i32, i32
  }
  func.func @transform_4(%arg0: i32) -> (i32, i32) {
    %c0_i32 = arith.constant 0 : i32
    %c0_i32_0 = arith.constant 0 : i32
    %c0_i32_1 = arith.constant 0 : i32
    return %c0_i32, %c0_i32_0 : i32, i32
  }
  func.func @transform_5(%arg0: i32) -> (i32, i32) {
    %c0_i32 = arith.constant 0 : i32
    %c0_i32_0 = arith.constant 0 : i32
    return %arg0, %c0_i32 : i32, i32
  }
}

</mosaic_0001>

<sc_bundles>
// kernel: kernel.11.cloned.1.call-start
scs
__scs_entry_jumppad:
0x0: {  	(pc) =	sbr.rel $0x88, $3  }
0x1: {  	(tag) =	ssettag $0x0;
	lr =	simm.s32 $0x1  }
0x2: {  	[smem:$0x3F9D] =	sst lr;
	_ =	strace $0xD0000000  }
0x3: {  	_ = 	snop  }
0x4: {  	_ = 	snop  }
0x5: {  	_ = 	snop  }
0x6: {  	_ = 	snop  }
0x7: {  	_ = 	snop  }
__scs_overlays_trampoline_lowered:
0x8: {  	[smem:$0x3FAC] =	sst s0  }
0x9: {  	[smem:$0x3FAD] =	sst s1  }
0xa: {  	[smem:$0x3FAE] =	sst s2  }
0xb: {  	[smem:$0x3FAF] =	sst s3  }
0xc: {  	[smem:$0x3FB0] =	sst s4  }
0xd: {  	[smem:$0x3FB1] =	sst s5  }
0xe: {  	[smem:$0x3FB2] =	sst s6  }
0xf: {  	[smem:$0x3FB3] =	sst s7  }
0x10: {  	[smem:$0x3FB4] =	sst s8  }
0x11: {  	[smem:$0x3FB5] =	sst s9;
	s0 =	simm.s32 @!p0 $0x0  }
0x12: {  	s1 =	sld [smem:$0x3F9B];
	s0 =	simm.s32 @p0 $0x1  }
0x13: {  	[smem:$0x3FB6] =	sst s0;
	s0 =	simm.s32 @!p1 $0x0  }
0x14: {  	s2 =	sld [smem:$0x3F9A];
	s0 =	simm.s32 @p1 $0x1  }
0x15: {  	[smem:$0x3FB7] =	sst s0;
	s0 =	simm.s32 @!p2 $0x0  }
0x16: {  	s3 =	sld [smem:$0x3FDB];
	s0 =	simm.s32 @p2 $0x1  }
0x17: {  	s4 =	simm.s32 $0x1BF5;
	[smem:$0x3FB9] =	sst s0  }
0x18: {  	s0 =	sld [smem:$0x3F9C];
	_ =	swait.ge [sflag:s4], $0x0  }
0x19: {  	s7 =	sld [smem:$0x3F9D]  }
0x1a: {  	s8 =	sadd.s32 $0xFFFFE003, lr  }
0x1b: {  	s9 =	sadd.s32 $0xFFFFFEF7, lr;
	s5 =	simm.s32 $0xFFFFFFFF;
	p2 =	slt.u32 s8, $0xFFFFF086  }
0x1c: {  	p1 =	slt.u32 s9, $0xF7A;
	s5 =	simm.s32 @!p2 $0x0  }
0x1d: {  	s5 =	simm.s32 @p1 $0x1;
	p0 =	seq.s32 s7, s2  }
0x1e: {  	s7 =	smul.u32 @!p0 $0xF7A, s2;
	p2 =	seq.s32 @!p0 s5, $0x0  }
0x1f: {  	s9 =	smul.u32 $0xF7A, s1;
	s8 =	simm.s32 @!p0 $0x1BF5;
	p2 =	por !p2, p0  }
0x20: {  	[sflag:s8] =	ssyncset.s32 @!p0 $0xFFFFF086;
	s6 =	sadd.s32 @!p0 s3, s7;
	s7 =	simm.s32 @!p0 $0x108  }
0x21: {  	s3 =	sadd.s32 s3, s9;
	s6 =	sadd.s32 @!p0 $0x88, s6;
	s7 =	simm.s32 @p2 $0x1082  }
0x22: {  	[simem:s7], [sflag:s8] =	dma.local @!p0 [hbm:s6], $0xF7A  }
0x23: {  	s9 =	sor.u32 $0xD0000000, s2;
	s6 =	simm.s32 $0x108;
	_ =	swait.ge @!p0 [sflag:s8], $0x0  }
0x24: {  	s3 =	sadd.s32 $0x88, s3;
	s6 =	simm.s32 @!p1 $0x1082;
	[sflag:s4] =	ssyncset.s32 $0xFFFFF086  }
0x25: {  	[simem:s6], [sflag:s4] =	dma.local [hbm:s3], $0xF7A  }
0x26: {  	[smem:$0x3F9D] =	sst s1;
	(tag) =	ssettag s2;
	_ =	strace s9  }
0x27: {  	s1 =	sld [smem:$0x3FAD]  }
0x28: {  	s2 =	sld [smem:$0x3FAE]  }
0x29: {  	s4 =	sld [smem:$0x3FB0]  }
0x2a: {  	p0 =	seq.s32 s5, $0x0;
	s5 =	sld [smem:$0x3FB1]  }
0x2b: {  	s6 =	sld [smem:$0x3FB2]  }
0x2c: {  	s7 =	sld [smem:$0x3FB3]  }
0x2d: {  	s3 =	simm.s32 $0x108;
	s8 =	sld [smem:$0x3FB4]  }
0x2e: {  	s3 =	simm.s32 @!p0 $0x1082;
	s9 =	sld [smem:$0x3FB5]  }
0x2f: {  	lr =	sadd.s32 s0, s3;
	s0 =	sld [smem:$0x3FAC]  }
0x30: {  	s3 =	sld [smem:$0x3FAF]  }
0x31: {  	[smem:$0x3FB8] =	sst s10  }
0x32: {  	s10 =	sld [smem:$0x3FB6];
	_ =	sdelay $0x3  }
0x33: {  	p0 =	seq.s32 s10, $0x1;
	s10 =	sld [smem:$0x3FB8];
	_ =	sdelay $0x3  }
0x34: {  	[smem:$0x3FB8] =	sst s10  }
0x35: {  	s10 =	sld [smem:$0x3FB7];
	_ =	sdelay $0x3  }
0x36: {  	p1 =	seq.s32 s10, $0x1;
	s10 =	sld [smem:$0x3FB8];
	_ =	sdelay $0x3  }
0x37: {  	[smem:$0x3FB8] =	sst s10  }
0x38: {  	s10 =	sld [smem:$0x3FB9]  }
0x39: {  	_ = 	snop;
	(pc) =	sbr.ind lr, $3  }
0x3a: {  	_ = 	snop  }
0x3b: {  	_ = 	snop  }
0x3c: {  	p2 =	seq.s32 s10, $0x1;
	s10 =	sld [smem:$0x3FB8]  }
0x3d: {  	_ =	shalt  }
0x3e: {  	_ =	shalt  }
0x3f: {  	_ =	shalt  }
0x40: {  	_ =	shalt  }
0x41: {  	_ =	shalt  }
0x42: {  	_ =	shalt  }
0x43: {  	_ =	shalt  }
0x44: {  	_ =	shalt  }
0x45: {  	_ =	shalt  }
0x46: {  	_ =	shalt  }
0x47: {  	_ =	shalt  }
0x48: {  	_ =	shalt  }
0x49: {  	_ =	shalt  }
0x4a: {  	_ =	shalt  }
0x4b: {  	_ =	shalt  }
0x4c: {  	_ =	shalt  }
0x4d: {  	_ =	shalt  }
0x4e: {  	_ =	shalt  }
0x4f: {  	_ =	shalt  }
0x50: {  	_ =	shalt  }
0x51: {  	_ =	shalt  }
0x52: {  	_ =	shalt  }
0x53: {  	_ =	shalt  }
0x54: {  	_ =	shalt  }
0x55: {  	_ =	shalt  }
0x56: {  	_ =	shalt  }
0x57: {  	_ =	shalt  }
0x58: {  	_ =	shalt  }
0x59: {  	_ =	shalt  }
0x5a: {  	_ =	shalt  }
0x5b: {  	_ =	shalt  }
0x5c: {  	_ =	shalt  }
0x5d: {  	_ =	shalt  }
0x5e: {  	_ =	shalt  }
0x5f: {  	_ =	shalt  }
0x60: {  	_ =	shalt  }
0x61: {  	_ =	shalt  }
0x62: {  	_ =	shalt  }
0x63: {  	_ =	shalt  }
0x64: {  	_ =	shalt  }
0x65: {  	_ =	shalt  }
0x66: {  	_ =	shalt  }
0x67: {  	_ =	shalt  }
0x68: {  	_ =	shalt  }
0x69: {  	_ =	shalt  }
0x6a: {  	_ =	shalt  }
0x6b: {  	_ =	shalt  }
0x6c: {  	_ =	shalt  }
0x6d: {  	_ =	shalt  }
0x6e: {  	_ =	shalt  }
0x6f: {  	_ =	shalt  }
0x70: {  	_ =	shalt  }
0x71: {  	_ =	shalt  }
0x72: {  	_ =	shalt  }
0x73: {  	_ =	shalt  }
0x74: {  	_ =	shalt  }
0x75: {  	_ =	shalt  }
0x76: {  	_ =	shalt  }
0x77: {  	_ =	shalt  }
0x78: {  	_ =	shalt  }
0x79: {  	_ =	shalt  }
0x7a: {  	_ =	shalt  }
0x7b: {  	_ =	shalt  }
0x7c: {  	_ =	shalt  }
0x7d: {  	_ =	shalt  }
0x7e: {  	_ =	shalt  }
0x7f: {  	_ =	shalt  }
0x80: {  	_ =	shalt  }
0x81: {  	_ =	shalt  }
0x82: {  	_ =	shalt  }
0x83: {  	_ =	shalt  }
0x84: {  	_ =	shalt  }
0x85: {  	_ =	shalt  }
0x86: {  	_ =	shalt  }
0x87: {  	_ =	shalt  }
.Lfunc_end0:
.L_simem_size_0:
called_computation.1_lowered:
.L_overlay_start_0:
0x88: {  	s2 =	sld [smem:$0x3FD9]  }
0x89: {  	s3 =	sld [smem:$0x3FFE];
	_ =	sdelay $0x1  }
0x8a: {  	s1 =	srdreg.scid  }
0x8b: {  	s0 =	sand.u32 $0x1, s1  }
0x8c: {  	s17 =	sshll.u32 s0, $0xA;
	s2 =	sadd.s32 s3, s2  }
0x8d: {  	s2 =	sadd.s32 s2, s17  }
0x8e: {  	[smem:$0x3FC4] =	sst s2  }
0x8f: {  	_ = 	snop  }
0x90: {  	s2 =	sld [smem:$0x3FD0];
	(tm) =	ssettm $0x1  }
0x91: {  	s18 =	sld [smem:$0x3FFB];
	_ =	sdelay $0x3  }
0x92: {  	_ =	strace s18  }
0x93: {  	s3 =	sld [smem:$0x3FFC];
	_ =	sdelay $0x3  }
0x94: {  	_ =	strace s3  }
0x95: {  	s3 =	sld [smem:$0x3FFD];
	_ =	sdelay $0x3  }
0x96: {  	_ =	strace s3  }
0x97: {  	_ =	strace $0x8FFFFFFF  }
0x98: {  	s19 =	sld [smem:$0x3FDB];
	_ =	sdelay $0x1  }
0x99: {  	s4 =	simm.s32 $_scs_section_size  }
0x9a: {  	s5 =	simm.s32 $_size__tile_overlayer_lowered;
	s6 =	simm.s32 $_tile_overlayer_lowered  }
0x9b: {  	s22 =	simm.s32 $0x1BFF;
	s21 =	sshll.u32 s6, $0x1;
	s3 =	sadd.s32 s4, s19  }
0x9c: {  	s7 =	simm.s32 $0x0;
	s20 =	sshll.u32 s5, $0x1;
	s5 =	sadd.s32 s21, s3  }
0x9d: {  	[timem:s7], [sflag:s22] =	dma.local [hbm:s5], s20  }
0x9e: {  	_ =	swait.ge [sflag:s22], s20  }
0x9f: {  	s4 =	ssub.s32 $0x0, s20;
	[sflag:s22] =	ssyncset.done $0x0  }
0xa0: {  	[sflag:s22] =	ssyncadd.s32 s4;
	_ =	sdelay $0x1  }
0xa1: {  	s23 =	simm.s32 $0x1B8B  }
0xa2: {  	_ =	swait.ge [sflag:s23], $0x1  }
0xa3: {  	[sflag:s23] =	ssyncset.done $0x0  }
0xa4: {  	s25 =	simm.s32 $0x1B8E;
	s24 =	sld [smem:$0x3FFE];
	[sflag:s23] =	ssyncadd.s32 $0xFFFFFFFF  }
0xa5: {  	s26 =	simm.s32 $execute0_lowered;
	[smem:$0x3FD2] =	sst s25  }
0xa6: {  	s5 =	sshll.u32 s26, $0x1;
	_ =	strace $0x80000049;
	[dreg:$0x1] =	wrdreg $0xFFFFFFFF  }
0xa7: {  	s28 =	simm.s32 $_size_execute0_lowered;
	s3 =	sadd.s32 s3, s5;
	[dreg:$0x0] =	wrdreg $0x0  }
0xa8: {  	s5 =	sshll.u32 s28, $0x1;
	[dreg:$0x2] =	wrdreg s3  }
0xa9: {  	[dreg:$0x3] =	wrdreg s5  }
0xaa: {  	[dreg:$0x4] =	wrdreg $0xC0  }
0xab: {  	_ =	task [dreg:s7], $0x5FFFF  }
0xac: {  	[dreg:$0x1] =	wrdreg $0xFFFFFFFF  }
0xad: {  	[dreg:$0x0] =	wrdreg $0x60  }
0xae: {  	[dreg:$0x2] =	wrdreg s2  }
0xaf: {  	[dreg:$0x3] =	wrdreg s24  }
0xb0: {  	[dreg:$0x4] =	wrdreg $0xA8000  }
0xb1: {  	[dreg:$0x5] =	wrdreg $0x9  }
0xb2: {  	_ =	task.clear_ibuf [dreg:s7], $0x6FFFF;
	_ =	strace $0x90000049  }
0xb3: {  	s29 =	simm.s32 $0x9;
	_ =	strace $0x8000004B  }
0xb4: {  	_ =	swait.ge [sflag:s29], $0x1  }
0xb5: {  	[sflag:s29] =	ssyncadd.s32 $0xFFFFFFFF  }
0xb6: {  	_ =	strace $0x9000004B  }
0xb7: {  	_ =	sfence  }
0xb8: {  	s30 =	sld [smem:$0x0];
	_ =	sdelay $0x2  }
0xb9: {  	s31 =	sshll.u32 s1, $0xD;
	s1 =	sshrl.u32 s1, $0x2  }
0xba: {  	s3 =	sand.u32 $0x4000, s31;
	s1 =	sadd.s32 s1, s30  }
0xbb: {  	s0 =	sor.u32 s3, s0;
	s1 =	sshll.u32 s1, $0x11  }
0xbc: {  	s0 =	sor.u32 s1, s0  }
0xbd: {  	s0 =	sadd.s32 $0x8F2B, s0  }
0xbe: {  	[sflag:s0] =	ssyncadd.remote.s32 $0x1  }
0xbf: {  	_ =	sfence.sel $0xFFFF  }
0xc0: {  	[dreg:$0x0] =	wrdreg $0xFFFFFFFF;
	(pc) =	sbr.abs _section_cstart, $3  }
0xc1: {  	[dreg:$0x1] =	wrdreg $0xFFFFFFFF  }
0xc2: {  	_ =	task.clear_ibuf [dreg:s7], $0x2FFFF;
	_ =	strace $0x9FFFFFFF  }
0xc3: {  	(tm) =	ssettm $0x7FFFFFFF  }
tec
execute0_lowered:
.L_overlay_start_1:
0x0: {  	(tag) =	ssettag $0x1  }
0x1: {  	s0 =	rddreg [dreg:$0x0]  }
0x2: {  	s3 =	rddreg [dreg:$0x1]  }
0x3: {  	s1 =	rddreg [dreg:$0x2]  }
0x4: {  	s2 =	simm.s32 $0x0;
	s4 =	srdreg.scid;
	s5 =	stileid.u32  }
0x5: {  	s21 =	simm.s32 $0x2800;
	s22 =	simm.s32 $0x3;
	s28 =	simm.s32 $0x2  }
0x6: {  	s29 =	simm.s32 $0x1380;
	s30 =	simm.s32 $0x2700;
	s31 =	simm.s32 $0x2780  }
0x7: {  	[smem:$0x7FF] =	sst s2;
	s20 =	sadd.s32 $0x2400, s3;
	s7 =	sand.u32 $0x1, s4  }
0x8: {  	s4 =	sadd.s32 $0xC400, s3;
	s8 =	smul.u32 $0x50000, s5;
	s9 =	sadd.s32 $0x34400, s3  }
0x9: {  	s3 =	sadd.s32 $0x34C00, s3;
	s10 =	sshll.u32 s5, $0x1;
	s11 =	smul.u32 $0x14000, s5  }
0xa: {  	_ =	strace $0x8000004A;
	s6 =	ssub.s32 $0x2, s7;
	[dreg:$0x4] =	wrdreg s9  }
0xb: {  	s13 =	sor.u32 s7, s10;
	s15 =	smul.u32 $0x140000, s7;
	s23 =	sshrl.u32 s6, $0x1  }
0xc: {  	s8 =	sshrl.u32 s8, $0x2;
	s12 =	sadd.s32 $0x4000, s11;
	s14 =	sadd.s32 $0x8000, s11  }
0xd: {  	s17 =	sadd.s32 $0xC000, s11;
	s18 =	sadd.s32 $0x10000, s11;
	s25 =	smul.u32 $0x500, s13  }
0xe: {  	s16 =	ssub.s32 s6, s23;
	s6 =	sadd.s32 s8, s1;
	s7 =	sadd.s32 s12, s1  }
0xf: {  	s8 =	sadd.s32 s14, s1;
	s9 =	sadd.s32 s17, s1;
	s11 =	sadd.s32 s11, s15  }
0x10: {  	s10 =	sadd.s32 s18, s1;
	s12 =	sadd.s32 s15, s12;
	s14 =	sadd.s32 s15, s14  }
0x11: {  	s17 =	sadd.s32 s15, s17;
	s15 =	sadd.s32 s15, s18;
	s23 =	simm.s32 $0x1400  }
0x12: {  	s11 =	sshrl.u32 s11, $0x3;
	s12 =	sshrl.u32 s12, $0x3;
	s14 =	sshrl.u32 s14, $0x3  }
0x13: {  	s17 =	sshrl.u32 s17, $0x3;
	s15 =	sshrl.u32 s15, $0x3;
	s16 =	smax.u32 s16, $0x1  }
0x14: {  	s26 =	sadd.s32 $0x280, s25;
	s18 =	sadd.s32 s20, s25;
	s24 =	sadd.s32 s3, s11  }
0x15: {  	s12 =	sadd.s32 s3, s12;
	s13 =	sadd.s32 s3, s14;
	s14 =	sadd.s32 s3, s17  }
0x16: {  	s15 =	sadd.s32 s3, s15;
	s17 =	sadd.s32 s0, s25;
	s19 =	sadd.s32 s0, s26  }
0x17: {  	s20 =	sadd.s32 s20, s26;
	s25 =	simm.s32 $0x1;
	s26 =	simm.s32 $0x6800  }
0x18: {  	s0 =	simm.s32 $0x0;
	[dreg:$0x5] =	wrdreg s24;
	s24 =	simm.s32 $0x80  }
.LBB2_1:
0x19: {  	s3 =	rddreg [dreg:$0x4]  }
0x1a: {  	[tilespmem:s21], [sflag:$0x3] =	stream.linear.gather [hbm4b:s3+s2], $0x4000, $0x38;
	[tilespmem:$0x1E800] =	vst v63  }
0x1b: {  	_ =	swait.ge [sflag:s22], $0x4000  }
0x1c: {  	[sflag:s22] =	ssyncset.done $0x0  }
0x1d: {  	[sflag:s22] =	ssyncadd.s32 $0xFFFFC000  }
0x1e: {  	[spmem:s6] =	stream.linear.scatter [tilespmem:s21], [sflag:$0x3], $0x4000, $0x38;
	[tilespmem:$0x1E800] =	vst v63  }
0x1f: {  	_ =	swait.ge [sflag:s22], $0x4000  }
0x20: {  	[sflag:s22] =	ssyncset.done $0x0  }
0x21: {  	[sflag:s22] =	ssyncadd.s32 $0xFFFFC000  }
0x22: {  	[spmem:s7] =	stream.linear.scatter [tilespmem:s21], [sflag:$0x3], $0x4000, $0x38;
	[tilespmem:$0x1E800] =	vst v63  }
0x23: {  	_ =	swait.ge [sflag:s22], $0x4000  }
0x24: {  	[sflag:s22] =	ssyncset.done $0x0  }
0x25: {  	[sflag:s22] =	ssyncadd.s32 $0xFFFFC000  }
0x26: {  	[spmem:s8] =	stream.linear.scatter [tilespmem:s21], [sflag:$0x3], $0x4000, $0x38;
	[tilespmem:$0x1E800] =	vst v63  }
0x27: {  	_ =	swait.ge [sflag:s22], $0x4000  }
0x28: {  	[sflag:s22] =	ssyncset.done $0x0  }
0x29: {  	[sflag:s22] =	ssyncadd.s32 $0xFFFFC000  }
0x2a: {  	[spmem:s9] =	stream.linear.scatter [tilespmem:s21], [sflag:$0x3], $0x4000, $0x38;
	[tilespmem:$0x1E800] =	vst v63  }
0x2b: {  	_ =	swait.ge [sflag:s22], $0x4000  }
0x2c: {  	[sflag:s22] =	ssyncset.done $0x0  }
0x2d: {  	[sflag:s22] =	ssyncadd.s32 $0xFFFFC000  }
0x2e: {  	[spmem:s10] =	stream.linear.scatter [tilespmem:s21], [sflag:$0x3], $0x4000, $0x38;
	[tilespmem:$0x1E800] =	vst v63  }
0x2f: {  	_ =	swait.ge [sflag:s22], $0x4000  }
0x30: {  	[sflag:s22] =	ssyncset.done $0x0  }
0x31: {  	[sflag:s22] =	ssyncadd.s32 $0xFFFFC000  }
0x32: {  	[bflag:$0x0] =	sbarrier.arrive $0xFFFF  }
0x33: {  	[tilespmem:s2], [sflag:$0x3] =	stream.linear.gather [hbm4b:s17+s2], $0x1400, $0x38;
	[tilespmem:$0x1E800] =	vst v63  }
0x34: {  	_ =	swait.ge [sflag:s22], $0x1400  }
0x35: {  	[sflag:s22] =	ssyncset.done $0x0  }
0x36: {  	[sflag:s22] =	ssyncadd.s32 $0xFFFFEC00  }
0x37: {  	[tilespmem:s23], [sflag:$0x3] =	stream.linear.gather [hbm4b:s18+s2], $0x1400, $0x38;
	[tilespmem:$0x1E800] =	vst v63  }
0x38: {  	_ =	swait.ge [sflag:s22], $0x1400  }
0x39: {  	[sflag:s22] =	ssyncset.done $0x0  }
0x3a: {  	[sflag:s22] =	ssyncadd.s32 $0xFFFFEC00  }
0x3b: {  	[tilespmem:s21], [sflag:$0x1] =	stream.indirect.gather [hbm4b:s4+s24], $0x80, s2, s24, $0xb8;
	[tilespmem:$0x1E800] =	vst v63  }
0x3c: {  	_ =	swait.ge [sflag:s25], $0x4000  }
0x3d: {  	[sflag:s25] =	ssyncset.done $0x0  }
0x3e: {  	s5 =	simm.s32 $0x80;
	[sflag:s25] =	ssyncadd.s32 $0xFFFFC000  }
0x3f: {  	[tilespmem:s26], [sflag:$0x2] =	stream.indirect.gather [hbm4b:s4+s24], $0x80, s5, s24, $0xb8;
	[tilespmem:$0x1E800] =	vst v63  }
0x40: {  	s11 =	simm.s32 $0x1400  }
0x41: {  	[spmem:s1] =	stream.indirect.scatter.add.f32 [tilespmem:s21], [sflag:$0x3], $0x80, s11, s24, $0xb8;
	[tilespmem:$0x1E800] =	vst v63  }
0x42: {  	_ =	swait.ge [sflag:s22], $0x4000  }
0x43: {  	[sflag:s22] =	ssyncset.done $0x0  }
0x44: {  	[sflag:s22] =	ssyncadd.s32 $0xFFFFC000  }
0x45: {  	_ =	swait.ge [sflag:s28], $0x4000  }
0x46: {  	[sflag:s28] =	ssyncset.done $0x0  }
0x47: {  	s5 =	simm.s32 $0x100;
	[sflag:s28] =	ssyncadd.s32 $0xFFFFC000  }
0x48: {  	[tilespmem:s21], [sflag:$0x1] =	stream.indirect.gather [hbm4b:s4+s24], $0x80, s5, s24, $0xb8;
	[tilespmem:$0x1E800] =	vst v63  }
0x49: {  	s11 =	simm.s32 $0x1480  }
0x4a: {  	[spmem:s1] =	stream.indirect.scatter.add.f32 [tilespmem:s26], [sflag:$0x3], $0x80, s11, s24, $0xb8;
	[tilespmem:$0x1E800] =	vst v63  }
0x4b: {  	_ =	swait.ge [sflag:s22], $0x4000  }
0x4c: {  	s3 =	simm.s32 $0x400;
	[sflag:s22] =	ssyncset.done $0x0  }
.LBB2_2:
0x4d: {  	p0 =	sne.s32 s3, $0x4800  }
0x4e: {  	[sflag:s22] =	ssyncadd.s32 $0xFFFFC000;
	s5 =	smov.u32 s3;
	s3 =	sadd.s32 $0x400, s3  }
0x4f: {  	_ = 	snop  }
0x50: {  	_ =	swait.ge [sflag:s25], $0x4000  }
0x51: {  	s5 =	sshra.s32 s5, $0x2;
	[sflag:s25] =	ssyncset.done $0x0  }
0x52: {  	s11 =	sadd.s32 $0x80, s5;
	[sflag:s25] =	ssyncadd.s32 $0xFFFFC000  }
0x53: {  	[tilespmem:s26], [sflag:$0x2] =	stream.indirect.gather [hbm4b:s4+s24], $0x80, s11, s24, $0xb8;
	[tilespmem:$0x1E800] =	vst v63  }
0x54: {  	s11 =	sadd.s32 $0x1400, s5  }
0x55: {  	[spmem:s1] =	stream.indirect.scatter.add.f32 [tilespmem:s21], [sflag:$0x3], $0x80, s11, s24, $0xb8;
	[tilespmem:$0x1E800] =	vst v63  }
0x56: {  	_ =	swait.ge [sflag:s22], $0x4000  }
0x57: {  	[sflag:s22] =	ssyncset.done $0x0  }
0x58: {  	[sflag:s22] =	ssyncadd.s32 $0xFFFFC000  }
0x59: {  	_ =	swait.ge [sflag:s28], $0x4000  }
0x5a: {  	[sflag:s28] =	ssyncset.done $0x0  }
0x5b: {  	s11 =	sadd.s32 $0x100, s5;
	[sflag:s28] =	ssyncadd.s32 $0xFFFFC000  }
0x5c: {  	[tilespmem:s21], [sflag:$0x1] =	stream.indirect.gather [hbm4b:s4+s24], $0x80, s11, s24, $0xb8;
	[tilespmem:$0x1E800] =	vst v63  }
.Ltmp0:
0x5d: {  	_ = 	snop;
	(pc) =	sbr.rel @p0 .LBB2_2-.Ltmp0, $4  }
0x5e: {  	s5 =	sadd.s32 $0x1480, s5  }
0x5f: {  	[spmem:s1] =	stream.indirect.scatter.add.f32 [tilespmem:s26], [sflag:$0x3], $0x80, s5, s24, $0xb8;
	[tilespmem:$0x1E800] =	vst v63  }
0x60: {  	_ =	swait.ge [sflag:s22], $0x4000  }
0x61: {  	[sflag:s22] =	ssyncset.done $0x0  }
0x62: {  	[sflag:s22] =	ssyncadd.s32 $0xFFFFC000  }
0x63: {  	_ =	swait.ge [sflag:s25], $0x4000  }
0x64: {  	[sflag:s25] =	ssyncset.done $0x0  }
0x65: {  	[sflag:s25] =	ssyncadd.s32 $0xFFFFC000  }
0x66: {  	[tilespmem:s26], [sflag:$0x2] =	stream.indirect.gather [hbm4b:s4+s24], $0x80, s29, s24, $0xb8;
	[tilespmem:$0x1E800] =	vst v63  }
0x67: {  	_ = 	snop  }
0x68: {  	[spmem:s1] =	stream.indirect.scatter.add.f32 [tilespmem:s21], [sflag:$0x3], $0x80, s30, s24, $0xb8;
	[tilespmem:$0x1E800] =	vst v63  }
0x69: {  	_ =	swait.ge [sflag:s22], $0x4000  }
0x6a: {  	[sflag:s22] =	ssyncset.done $0x0  }
0x6b: {  	[sflag:s22] =	ssyncadd.s32 $0xFFFFC000  }
0x6c: {  	_ =	swait.ge [sflag:s28], $0x4000  }
0x6d: {  	[sflag:s28] =	ssyncset.done $0x0  }
0x6e: {  	[sflag:s28] =	ssyncadd.s32 $0xFFFFC000  }
0x6f: {  	[spmem:s1] =	stream.indirect.scatter.add.f32 [tilespmem:s26], [sflag:$0x3], $0x80, s31, s24, $0xb8;
	[tilespmem:$0x1E800] =	vst v63  }
0x70: {  	_ =	swait.ge [sflag:s22], $0x4000  }
0x71: {  	[sflag:s22] =	ssyncset.done $0x0  }
0x72: {  	s3 =	simm.s32 $0x0;
	[sflag:s22] =	ssyncadd.s32 $0xFFFFC000  }
0x73: {  	[tilespmem:s3], [sflag:$0x3] =	stream.linear.gather [hbm4b:s19+s3], $0x1400, $0x38;
	[tilespmem:$0x1E800] =	vst v63  }
0x74: {  	_ =	swait.ge [sflag:s22], $0x1400  }
0x75: {  	[sflag:s22] =	ssyncset.done $0x0  }
0x76: {  	[sflag:s22] =	ssyncadd.s32 $0xFFFFEC00  }
0x77: {  	[tilespmem:s23], [sflag:$0x3] =	stream.linear.gather [hbm4b:s20+s3], $0x1400, $0x38;
	[tilespmem:$0x1E800] =	vst v63  }
0x78: {  	_ =	swait.ge [sflag:s22], $0x1400  }
0x79: {  	[sflag:s22] =	ssyncset.done $0x0  }
0x7a: {  	[sflag:s22] =	ssyncadd.s32 $0xFFFFEC00  }
0x7b: {  	[tilespmem:s21], [sflag:$0x1] =	stream.indirect.gather [hbm4b:s4+s24], $0x80, s3, s24, $0xb8;
	[tilespmem:$0x1E800] =	vst v63  }
0x7c: {  	_ =	swait.ge [sflag:s25], $0x4000  }
0x7d: {  	[sflag:s25] =	ssyncset.done $0x0  }
0x7e: {  	s5 =	simm.s32 $0x80;
	[sflag:s25] =	ssyncadd.s32 $0xFFFFC000  }
0x7f: {  	[tilespmem:s26], [sflag:$0x2] =	stream.indirect.gather [hbm4b:s4+s24], $0x80, s5, s24, $0xb8;
	[tilespmem:$0x1E800] =	vst v63  }
0x80: {  	s11 =	simm.s32 $0x1400  }
0x81: {  	[spmem:s1] =	stream.indirect.scatter.add.f32 [tilespmem:s21], [sflag:$0x3], $0x80, s11, s24, $0xb8;
	[tilespmem:$0x1E800] =	vst v63  }
0x82: {  	_ =	swait.ge [sflag:s22], $0x4000  }
0x83: {  	[sflag:s22] =	ssyncset.done $0x0  }
0x84: {  	[sflag:s22] =	ssyncadd.s32 $0xFFFFC000  }
0x85: {  	_ =	swait.ge [sflag:s28], $0x4000  }
0x86: {  	[sflag:s28] =	ssyncset.done $0x0  }
0x87: {  	s5 =	simm.s32 $0x100;
	[sflag:s28] =	ssyncadd.s32 $0xFFFFC000  }
0x88: {  	[tilespmem:s21], [sflag:$0x1] =	stream.indirect.gather [hbm4b:s4+s24], $0x80, s5, s24, $0xb8;
	[tilespmem:$0x1E800] =	vst v63  }
0x89: {  	s11 =	simm.s32 $0x1480  }
0x8a: {  	[spmem:s1] =	stream.indirect.scatter.add.f32 [tilespmem:s26], [sflag:$0x3], $0x80, s11, s24, $0xb8;
	[tilespmem:$0x1E800] =	vst v63  }
0x8b: {  	_ =	swait.ge [sflag:s22], $0x4000  }
0x8c: {  	s3 =	simm.s32 $0x400;
	[sflag:s22] =	ssyncset.done $0x0  }
.LBB2_4:
0x8d: {  	p0 =	sne.s32 s3, $0x4800  }
0x8e: {  	[sflag:s22] =	ssyncadd.s32 $0xFFFFC000;
	s5 =	smov.u32 s3;
	s3 =	sadd.s32 $0x400, s3  }
0x8f: {  	_ = 	snop  }
0x90: {  	_ =	swait.ge [sflag:s25], $0x4000  }
0x91: {  	s5 =	sshra.s32 s5, $0x2;
	[sflag:s25] =	ssyncset.done $0x0  }
0x92: {  	s11 =	sadd.s32 $0x80, s5;
	[sflag:s25] =	ssyncadd.s32 $0xFFFFC000  }
0x93: {  	[tilespmem:s26], [sflag:$0x2] =	stream.indirect.gather [hbm4b:s4+s24], $0x80, s11, s24, $0xb8;
	[tilespmem:$0x1E800] =	vst v63  }
0x94: {  	s11 =	sadd.s32 $0x1400, s5  }
0x95: {  	[spmem:s1] =	stream.indirect.scatter.add.f32 [tilespmem:s21], [sflag:$0x3], $0x80, s11, s24, $0xb8;
	[tilespmem:$0x1E800] =	vst v63  }
0x96: {  	_ =	swait.ge [sflag:s22], $0x4000  }
0x97: {  	[sflag:s22] =	ssyncset.done $0x0  }
0x98: {  	[sflag:s22] =	ssyncadd.s32 $0xFFFFC000  }
0x99: {  	_ =	swait.ge [sflag:s28], $0x4000  }
0x9a: {  	[sflag:s28] =	ssyncset.done $0x0  }
0x9b: {  	s11 =	sadd.s32 $0x100, s5;
	[sflag:s28] =	ssyncadd.s32 $0xFFFFC000  }
0x9c: {  	[tilespmem:s21], [sflag:$0x1] =	stream.indirect.gather [hbm4b:s4+s24], $0x80, s11, s24, $0xb8;
	[tilespmem:$0x1E800] =	vst v63  }
.Ltmp1:
0x9d: {  	_ = 	snop;
	(pc) =	sbr.rel @p0 .LBB2_4-.Ltmp1, $4  }
0x9e: {  	s5 =	sadd.s32 $0x1480, s5  }
0x9f: {  	[spmem:s1] =	stream.indirect.scatter.add.f32 [tilespmem:s26], [sflag:$0x3], $0x80, s5, s24, $0xb8;
	[tilespmem:$0x1E800] =	vst v63  }
0xa0: {  	_ =	swait.ge [sflag:s22], $0x4000  }
0xa1: {  	[sflag:s22] =	ssyncset.done $0x0  }
0xa2: {  	[sflag:s22] =	ssyncadd.s32 $0xFFFFC000  }
0xa3: {  	_ =	swait.ge [sflag:s25], $0x4000  }
0xa4: {  	[sflag:s25] =	ssyncset.done $0x0  }
0xa5: {  	[sflag:s25] =	ssyncadd.s32 $0xFFFFC000  }
0xa6: {  	[tilespmem:s26], [sflag:$0x2] =	stream.indirect.gather [hbm4b:s4+s24], $0x80, s29, s24, $0xb8;
	[tilespmem:$0x1E800] =	vst v63  }
0xa7: {  	_ = 	snop  }
0xa8: {  	[spmem:s1] =	stream.indirect.scatter.add.f32 [tilespmem:s21], [sflag:$0x3], $0x80, s30, s24, $0xb8;
	[tilespmem:$0x1E800] =	vst v63  }
0xa9: {  	_ =	swait.ge [sflag:s22], $0x4000  }
0xaa: {  	[sflag:s22] =	ssyncset.done $0x0  }
0xab: {  	[sflag:s22] =	ssyncadd.s32 $0xFFFFC000  }
0xac: {  	_ =	swait.ge [sflag:s28], $0x4000  }
0xad: {  	[sflag:s28] =	ssyncset.done $0x0  }
0xae: {  	[sflag:s28] =	ssyncadd.s32 $0xFFFFC000  }
0xaf: {  	[spmem:s1] =	stream.indirect.scatter.add.f32 [tilespmem:s26], [sflag:$0x3], $0x80, s31, s24, $0xb8;
	[tilespmem:$0x1E800] =	vst v63  }
0xb0: {  	_ =	swait.ge [sflag:s22], $0x4000  }
0xb1: {  	[sflag:s22] =	ssyncset.done $0x0  }
0xb2: {  	[sflag:s22] =	ssyncadd.s32 $0xFFFFC000  }
0xb3: {  	[bflag:$0x0] =	sbarrier.arrive $0xFFFF  }
0xb4: {  	[tilespmem:s21], [sflag:$0x3] =	stream.linear.gather [spmem:s6], $0x4000, $0x38;
	[tilespmem:$0x1E800] =	vst v63  }
0xb5: {  	_ =	swait.ge [sflag:s22], $0x4000  }
0xb6: {  	[sflag:s22] =	ssyncset.done $0x0  }
0xb7: {  	s3 =	rddreg [dreg:$0x5];
	[sflag:s22] =	ssyncadd.s32 $0xFFFFC000  }
0xb8: {  	[hbm4b:s3+s2] =	stream.linear.scatter [tilespmem:s21], [sflag:$0x3], $0x4000, $0x38;
	[tilespmem:$0x1E800] =	vst v63  }
0xb9: {  	_ =	swait.ge [sflag:s22], $0x4000  }
0xba: {  	[sflag:s22] =	ssyncset.done $0x0  }
0xbb: {  	[sflag:s22] =	ssyncadd.s32 $0xFFFFC000  }
0xbc: {  	[tilespmem:s21], [sflag:$0x3] =	stream.linear.gather [spmem:s7], $0x4000, $0x38;
	[tilespmem:$0x1E800] =	vst v63  }
0xbd: {  	_ =	swait.ge [sflag:s22], $0x4000  }
0xbe: {  	[sflag:s22] =	ssyncset.done $0x0  }
0xbf: {  	[sflag:s22] =	ssyncadd.s32 $0xFFFFC000  }
0xc0: {  	[hbm4b:s12+s2] =	stream.linear.scatter [tilespmem:s21], [sflag:$0x3], $0x4000, $0x38;
	[tilespmem:$0x1E800] =	vst v63  }
0xc1: {  	_ =	swait.ge [sflag:s22], $0x4000  }
0xc2: {  	[sflag:s22] =	ssyncset.done $0x0  }
0xc3: {  	[sflag:s22] =	ssyncadd.s32 $0xFFFFC000  }
0xc4: {  	[tilespmem:s21], [sflag:$0x3] =	stream.linear.gather [spmem:s8], $0x4000, $0x38;
	[tilespmem:$0x1E800] =	vst v63  }
0xc5: {  	_ =	swait.ge [sflag:s22], $0x4000  }
0xc6: {  	[sflag:s22] =	ssyncset.done $0x0  }
0xc7: {  	[sflag:s22] =	ssyncadd.s32 $0xFFFFC000  }
0xc8: {  	[hbm4b:s13+s2] =	stream.linear.scatter [tilespmem:s21], [sflag:$0x3], $0x4000, $0x38;
	[tilespmem:$0x1E800] =	vst v63  }
0xc9: {  	_ =	swait.ge [sflag:s22], $0x4000  }
0xca: {  	[sflag:s22] =	ssyncset.done $0x0  }
0xcb: {  	[sflag:s22] =	ssyncadd.s32 $0xFFFFC000  }
0xcc: {  	[tilespmem:s21], [sflag:$0x3] =	stream.linear.gather [spmem:s9], $0x4000, $0x38;
	[tilespmem:$0x1E800] =	vst v63  }
0xcd: {  	_ =	swait.ge [sflag:s22], $0x4000  }
0xce: {  	[sflag:s22] =	ssyncset.done $0x0  }
0xcf: {  	[sflag:s22] =	ssyncadd.s32 $0xFFFFC000  }
0xd0: {  	[hbm4b:s14+s2] =	stream.linear.scatter [tilespmem:s21], [sflag:$0x3], $0x4000, $0x38;
	[tilespmem:$0x1E800] =	vst v63  }
0xd1: {  	_ =	swait.ge [sflag:s22], $0x4000  }
0xd2: {  	[sflag:s22] =	ssyncset.done $0x0  }
0xd3: {  	[sflag:s22] =	ssyncadd.s32 $0xFFFFC000  }
0xd4: {  	[tilespmem:s21], [sflag:$0x3] =	stream.linear.gather [spmem:s10], $0x4000, $0x38;
	[tilespmem:$0x1E800] =	vst v63  }
0xd5: {  	s0 =	sadd.s32 $0x1, s0;
	_ =	swait.ge [sflag:s22], $0x4000  }
0xd6: {  	p0 =	sne.s32 s0, s16;
	[sflag:s22] =	ssyncset.done $0x0  }
.Ltmp2:
0xd7: {  	[sflag:s22] =	ssyncadd.s32 $0xFFFFC000;
	(pc) =	sbr.rel @p0 .LBB2_1-.Ltmp2, $4  }
0xd8: {  	[hbm4b:s15+s2] =	stream.linear.scatter [tilespmem:s21], [sflag:$0x3], $0x4000, $0x38;
	[tilespmem:$0x1E800] =	vst v63  }
0xd9: {  	_ =	swait.ge [sflag:s22], $0x4000  }
0xda: {  	[sflag:s22] =	ssyncset.done $0x0  }
0xdb: {  	[sflag:s22] =	ssyncadd.s32 $0xFFFFC000  }
0xdc: {  	_ =	sfence.sel $0x180000  }
0xdd: {  	[bflag:$0x0] =	sbarrier.arrive $0xFFFF  }
0xde: {  	_ =	strace $0x9000004A  }
0xdf: {  	s0 =	stileid.u32;
	[bflag:$0x2] =	sbarrier.arrive $0xFFFF  }
0xe0: {  	p0 =	sne.s32 s0, $0x0;
	s0 =	rddreg [dreg:$0x3]  }
0xe1: {  	s0 =	sadd.s32 @!p0 $0x100000, s0  }
0xe2: {  	[sflag:s0] =	ssyncadd.tile.s32 @!p0 $0x1;
	_ =	shalt  }
.Lfunc_end2:
_tile_overlayer_lowered:
.L_overlay_start_2:
0xe3: {  	(tag) =	ssettag $0x2  }
0xe4: {  	s0 =	rddreg [dreg:$0x0];
	s2 =	stileid.u32  }
0xe5: {  	s1 =	rddreg [dreg:$0x1];
	p0 =	sne.s32 s2, $0x0  }
0xe6: {  	s3 =	rddreg [dreg:$0x2];
	[bflag:$0x3] =	sbarrier.arrive $0xFFFF;
	s2 =	simm.s32 @!p0 $0x1C03  }
0xe7: {  	[timem:s3], [sflag:s2] =	dma.local @!p0 [hbm:s0], s1  }
0xe8: {  	s0 =	simm.s32 @!p0 $0x3  }
0xe9: {  	_ =	swait.ge @!p0 [sflag:s0], s1  }
0xea: {  	s1 =	ssub.s32 @!p0 $0x0, s1;
	[sflag:s0] =	ssyncset.done @!p0 $0x0  }
0xeb: {  	[sflag:s0] =	ssyncadd.s32 @!p0 s1  }
0xec: {  	[bflag:$0x3] =	sbarrier.arrive $0xFFFF  }
0xed: {  	_ =	shalt  }

// kernel: kernel.8.cloned.1.call-start
scs
__scs_entry_jumppad:
0x0: {  	(pc) =	sbr.rel $0x88, $3  }
0x1: {  	(tag) =	ssettag $0x0;
	lr =	simm.s32 $0x1  }
0x2: {  	[smem:$0x3F9D] =	sst lr;
	_ =	strace $0xD0000000  }
0x3: {  	_ = 	snop  }
0x4: {  	_ = 	snop  }
0x5: {  	_ = 	snop  }
0x6: {  	_ = 	snop  }
0x7: {  	_ = 	snop  }
__scs_overlays_trampoline_lowered:
0x8: {  	[smem:$0x3FAC] =	sst s0  }
0x9: {  	[smem:$0x3FAD] =	sst s1  }
0xa: {  	[smem:$0x3FAE] =	sst s2  }
0xb: {  	[smem:$0x3FAF] =	sst s3  }
0xc: {  	[smem:$0x3FB0] =	sst s4  }
0xd: {  	[smem:$0x3FB1] =	sst s5  }
0xe: {  	[smem:$0x3FB2] =	sst s6  }
0xf: {  	[smem:$0x3FB3] =	sst s7  }
0x10: {  	[smem:$0x3FB4] =	sst s8  }
0x11: {  	[smem:$0x3FB5] =	sst s9;
	s0 =	simm.s32 @!p0 $0x0  }
0x12: {  	s1 =	sld [smem:$0x3F9B];
	s0 =	simm.s32 @p0 $0x1  }
0x13: {  	[smem:$0x3FB6] =	sst s0;
	s0 =	simm.s32 @!p1 $0x0  }
0x14: {  	s2 =	sld [smem:$0x3F9A];
	s0 =	simm.s32 @p1 $0x1  }
0x15: {  	[smem:$0x3FB7] =	sst s0;
	s0 =	simm.s32 @!p2 $0x0  }
0x16: {  	s3 =	sld [smem:$0x3FDB];
	s0 =	simm.s32 @p2 $0x1  }
0x17: {  	s4 =	simm.s32 $0x1BF5;
	[smem:$0x3FB9] =	sst s0  }
0x18: {  	s0 =	sld [smem:$0x3F9C];
	_ =	swait.ge [sflag:s4], $0x0  }
0x19: {  	s7 =	sld [smem:$0x3F9D]  }
0x1a: {  	s8 =	sadd.s32 $0xFFFFE003, lr  }
0x1b: {  	s9 =	sadd.s32 $0xFFFFFEF7, lr;
	s5 =	simm.s32 $0xFFFFFFFF;
	p2 =	slt.u32 s8, $0xFFFFF086  }
0x1c: {  	p1 =	slt.u32 s9, $0xF7A;
	s5 =	simm.s32 @!p2 $0x0  }
0x1d: {  	s5 =	simm.s32 @p1 $0x1;
	p0 =	seq.s32 s7, s2  }
0x1e: {  	s7 =	smul.u32 @!p0 $0xF7A, s2;
	p2 =	seq.s32 @!p0 s5, $0x0  }
0x1f: {  	s9 =	smul.u32 $0xF7A, s1;
	s8 =	simm.s32 @!p0 $0x1BF5;
	p2 =	por !p2, p0  }
0x20: {  	[sflag:s8] =	ssyncset.s32 @!p0 $0xFFFFF086;
	s6 =	sadd.s32 @!p0 s3, s7;
	s7 =	simm.s32 @!p0 $0x108  }
0x21: {  	s3 =	sadd.s32 s3, s9;
	s6 =	sadd.s32 @!p0 $0x88, s6;
	s7 =	simm.s32 @p2 $0x1082  }
0x22: {  	[simem:s7], [sflag:s8] =	dma.local @!p0 [hbm:s6], $0xF7A  }
0x23: {  	s9 =	sor.u32 $0xD0000000, s2;
	s6 =	simm.s32 $0x108;
	_ =	swait.ge @!p0 [sflag:s8], $0x0  }
0x24: {  	s3 =	sadd.s32 $0x88, s3;
	s6 =	simm.s32 @!p1 $0x1082;
	[sflag:s4] =	ssyncset.s32 $0xFFFFF086  }
0x25: {  	[simem:s6], [sflag:s4] =	dma.local [hbm:s3], $0xF7A  }
0x26: {  	[smem:$0x3F9D] =	sst s1;
	(tag) =	ssettag s2;
	_ =	strace s9  }
0x27: {  	s1 =	sld [smem:$0x3FAD]  }
0x28: {  	s2 =	sld [smem:$0x3FAE]  }
0x29: {  	s4 =	sld [smem:$0x3FB0]  }
0x2a: {  	p0 =	seq.s32 s5, $0x0;
	s5 =	sld [smem:$0x3FB1]  }
0x2b: {  	s6 =	sld [smem:$0x3FB2]  }
0x2c: {  	s7 =	sld [smem:$0x3FB3]  }
0x2d: {  	s3 =	simm.s32 $0x108;
	s8 =	sld [smem:$0x3FB4]  }
0x2e: {  	s3 =	simm.s32 @!p0 $0x1082;
	s9 =	sld [smem:$0x3FB5]  }
0x2f: {  	lr =	sadd.s32 s0, s3;
	s0 =	sld [smem:$0x3FAC]  }
0x30: {  	s3 =	sld [smem:$0x3FAF]  }
0x31: {  	[smem:$0x3FB8] =	sst s10  }
0x32: {  	s10 =	sld [smem:$0x3FB6];
	_ =	sdelay $0x3  }
0x33: {  	p0 =	seq.s32 s10, $0x1;
	s10 =	sld [smem:$0x3FB8];
	_ =	sdelay $0x3  }
0x34: {  	[smem:$0x3FB8] =	sst s10  }
0x35: {  	s10 =	sld [smem:$0x3FB7];
	_ =	sdelay $0x3  }
0x36: {  	p1 =	seq.s32 s10, $0x1;
	s10 =	sld [smem:$0x3FB8];
	_ =	sdelay $0x3  }
0x37: {  	[smem:$0x3FB8] =	sst s10  }
0x38: {  	s10 =	sld [smem:$0x3FB9]  }
0x39: {  	_ = 	snop;
	(pc) =	sbr.ind lr, $3  }
0x3a: {  	_ = 	snop  }
0x3b: {  	_ = 	snop  }
0x3c: {  	p2 =	seq.s32 s10, $0x1;
	s10 =	sld [smem:$0x3FB8]  }
0x3d: {  	_ =	shalt  }
0x3e: {  	_ =	shalt  }
0x3f: {  	_ =	shalt  }
0x40: {  	_ =	shalt  }
0x41: {  	_ =	shalt  }
0x42: {  	_ =	shalt  }
0x43: {  	_ =	shalt  }
0x44: {  	_ =	shalt  }
0x45: {  	_ =	shalt  }
0x46: {  	_ =	shalt  }
0x47: {  	_ =	shalt  }
0x48: {  	_ =	shalt  }
0x49: {  	_ =	shalt  }
0x4a: {  	_ =	shalt  }
0x4b: {  	_ =	shalt  }
0x4c: {  	_ =	shalt  }
0x4d: {  	_ =	shalt  }
0x4e: {  	_ =	shalt  }
0x4f: {  	_ =	shalt  }
0x50: {  	_ =	shalt  }
0x51: {  	_ =	shalt  }
0x52: {  	_ =	shalt  }
0x53: {  	_ =	shalt  }
0x54: {  	_ =	shalt  }
0x55: {  	_ =	shalt  }
0x56: {  	_ =	shalt  }
0x57: {  	_ =	shalt  }
0x58: {  	_ =	shalt  }
0x59: {  	_ =	shalt  }
0x5a: {  	_ =	shalt  }
0x5b: {  	_ =	shalt  }
0x5c: {  	_ =	shalt  }
0x5d: {  	_ =	shalt  }
0x5e: {  	_ =	shalt  }
0x5f: {  	_ =	shalt  }
0x60: {  	_ =	shalt  }
0x61: {  	_ =	shalt  }
0x62: {  	_ =	shalt  }
0x63: {  	_ =	shalt  }
0x64: {  	_ =	shalt  }
0x65: {  	_ =	shalt  }
0x66: {  	_ =	shalt  }
0x67: {  	_ =	shalt  }
0x68: {  	_ =	shalt  }
0x69: {  	_ =	shalt  }
0x6a: {  	_ =	shalt  }
0x6b: {  	_ =	shalt  }
0x6c: {  	_ =	shalt  }
0x6d: {  	_ =	shalt  }
0x6e: {  	_ =	shalt  }
0x6f: {  	_ =	shalt  }
0x70: {  	_ =	shalt  }
0x71: {  	_ =	shalt  }
0x72: {  	_ =	shalt  }
0x73: {  	_ =	shalt  }
0x74: {  	_ =	shalt  }
0x75: {  	_ =	shalt  }
0x76: {  	_ =	shalt  }
0x77: {  	_ =	shalt  }
0x78: {  	_ =	shalt  }
0x79: {  	_ =	shalt  }
0x7a: {  	_ =	shalt  }
0x7b: {  	_ =	shalt  }
0x7c: {  	_ =	shalt  }
0x7d: {  	_ =	shalt  }
0x7e: {  	_ =	shalt  }
0x7f: {  	_ =	shalt  }
0x80: {  	_ =	shalt  }
0x81: {  	_ =	shalt  }
0x82: {  	_ =	shalt  }
0x83: {  	_ =	shalt  }
0x84: {  	_ =	shalt  }
0x85: {  	_ =	shalt  }
0x86: {  	_ =	shalt  }
0x87: {  	_ =	shalt  }
.Lfunc_end0:
.L_simem_size_0:
called_computation_lowered:
.L_overlay_start_0:
0x88: {  	s2 =	sld [smem:$0x3FD9]  }
0x89: {  	s3 =	sld [smem:$0x3FFE];
	_ =	sdelay $0x1  }
0x8a: {  	s1 =	srdreg.scid  }
0x8b: {  	s0 =	sand.u32 $0x1, s1  }
0x8c: {  	s16 =	sshll.u32 s0, $0xA;
	s2 =	sadd.s32 s3, s2  }
0x8d: {  	s2 =	sadd.s32 s2, s16  }
0x8e: {  	[smem:$0x3FC4] =	sst s2  }
0x8f: {  	_ = 	snop  }
0x90: {  	(tm) =	ssettm $0x1  }
0x91: {  	s17 =	sld [smem:$0x3FFB];
	_ =	sdelay $0x3  }
0x92: {  	_ =	strace s17  }
0x93: {  	s2 =	sld [smem:$0x3FFC];
	_ =	sdelay $0x3  }
0x94: {  	_ =	strace s2  }
0x95: {  	s2 =	sld [smem:$0x3FFD];
	_ =	sdelay $0x3  }
0x96: {  	_ =	strace s2  }
0x97: {  	_ =	strace $0x8FFFFFFF  }
0x98: {  	s18 =	sld [smem:$0x3FDB];
	_ =	sdelay $0x1  }
0x99: {  	s19 =	simm.s32 $_scs_section_size  }
0x9a: {  	s4 =	simm.s32 $_size__tile_overlayer_lowered;
	s5 =	simm.s32 $_tile_overlayer_lowered  }
0x9b: {  	s22 =	simm.s32 $0x1BFF;
	s21 =	sshll.u32 s5, $0x1;
	s2 =	sadd.s32 s19, s18  }
0x9c: {  	s6 =	simm.s32 $0x0;
	s20 =	sshll.u32 s4, $0x1;
	s4 =	sadd.s32 s21, s2  }
0x9d: {  	[timem:s6], [sflag:s22] =	dma.local [hbm:s4], s20  }
0x9e: {  	_ =	swait.ge [sflag:s22], s20  }
0x9f: {  	s3 =	ssub.s32 $0x0, s20;
	[sflag:s22] =	ssyncset.done $0x0  }
0xa0: {  	[sflag:s22] =	ssyncadd.s32 s3;
	_ =	sdelay $0x1  }
0xa1: {  	s23 =	simm.s32 $0x1B8B  }
0xa2: {  	_ =	swait.ge [sflag:s23], $0x1  }
0xa3: {  	[sflag:s23] =	ssyncset.done $0x0  }
0xa4: {  	s25 =	simm.s32 $0x1B8E;
	s24 =	sld [smem:$0x3FFE];
	[sflag:s23] =	ssyncadd.s32 $0xFFFFFFFF  }
0xa5: {  	s26 =	simm.s32 $execute0_lowered;
	[smem:$0x3FD2] =	sst s25  }
0xa6: {  	s4 =	sshll.u32 s26, $0x1;
	_ =	strace $0x80000046;
	[dreg:$0x1] =	wrdreg $0xFFFFFFFF  }
0xa7: {  	s28 =	simm.s32 $_size_execute0_lowered;
	s2 =	sadd.s32 s2, s4;
	[dreg:$0x0] =	wrdreg $0x0  }
0xa8: {  	s4 =	sshll.u32 s28, $0x1;
	[dreg:$0x2] =	wrdreg s2  }
0xa9: {  	[dreg:$0x3] =	wrdreg s4  }
0xaa: {  	[dreg:$0x4] =	wrdreg $0xC0  }
0xab: {  	_ =	task [dreg:s6], $0x5FFFF  }
0xac: {  	[dreg:$0x1] =	wrdreg $0xFFFFFFFF  }
0xad: {  	[dreg:$0x0] =	wrdreg $0x60  }
0xae: {  	[dreg:$0x2] =	wrdreg s24  }
0xaf: {  	[dreg:$0x3] =	wrdreg $0x9  }
0xb0: {  	_ =	task.clear_ibuf [dreg:s6], $0x4FFFF;
	_ =	strace $0x90000046  }
0xb1: {  	s29 =	simm.s32 $0x9;
	_ =	strace $0x80000048  }
0xb2: {  	_ =	swait.ge [sflag:s29], $0x1  }
0xb3: {  	[sflag:s29] =	ssyncadd.s32 $0xFFFFFFFF  }
0xb4: {  	_ =	strace $0x90000048  }
0xb5: {  	_ =	sfence  }
0xb6: {  	s30 =	sld [smem:$0x0];
	_ =	sdelay $0x2  }
0xb7: {  	s31 =	sshll.u32 s1, $0xD;
	s1 =	sshrl.u32 s1, $0x2  }
0xb8: {  	s3 =	sand.u32 $0x4000, s31;
	s1 =	sadd.s32 s1, s30  }
0xb9: {  	s0 =	sor.u32 s3, s0;
	s1 =	sshll.u32 s1, $0x11  }
0xba: {  	s0 =	sor.u32 s1, s0  }
0xbb: {  	s0 =	sadd.s32 $0x8F2B, s0  }
0xbc: {  	[sflag:s0] =	ssyncadd.remote.s32 $0x1  }
0xbd: {  	_ =	sfence.sel $0xFFFF  }
0xbe: {  	[dreg:$0x0] =	wrdreg $0xFFFFFFFF;
	(pc) =	sbr.abs _section_cstart, $3  }
0xbf: {  	[dreg:$0x1] =	wrdreg $0xFFFFFFFF  }
0xc0: {  	_ =	task.clear_ibuf [dreg:s6], $0x2FFFF;
	_ =	strace $0x9FFFFFFF  }
0xc1: {  	(tm) =	ssettm $0x7FFFFFFF  }
tec
execute0_lowered:
.L_overlay_start_1:
0x0: {  	(tag) =	ssettag $0x1  }
0x1: {  	s1 =	srdreg.scid  }
0x2: {  	s0 =	stileid.u32;
	s4 =	rddreg [dreg:$0x0];
	s8 =	simm.s32 $0x1  }
0x3: {  	s9 =	simm.s32 $0x80;
	s10 =	simm.s32 $0x400;
	s11 =	simm.s32 $0x0  }
0x4: {  	s3 =	sand.u32 $0x1, s1;
	s2 =	sshll.u32 s0, $0x1;
	s1 =	rddreg [dreg:$0x1]  }
0x5: {  	s6 =	sshrl.u32 s0, $0x2;
	s5 =	sor.u32 s3, s2;
	s2 =	simm.s32 $0x0  }
0x6: {  	s6 =	smul.u32 $0x14000, s6;
	s30 =	ssub.s32 $0x2, s3;
	s7 =	sshll.u32 s5, $0x7  }
0x7: {  	s3 =	sadd.s32 $0xC400, s4;
	s5 =	smul.u32 $0x500, s5;
	s7 =	sand.u32 $0x380, s7  }
0x8: {  	[smem:$0x7FF] =	sst s2;
	s31 =	sshrl.u32 s30, $0x1;
	s6 =	sor.u32 s6, s7  }
0x9: {  	_ =	strace $0x80000047;
	s5 =	sadd.s32 s5, s4;
	s6 =	sshrl.u32 s6, $0x3  }
0xa: {  	s7 =	ssub.s32 s30, s31;
	s6 =	sadd.s32 s6, s4;
	s4 =	sadd.s32 $0x2400, s5  }
0xb: {  	v0 =	vimm.f32 $1.000000000e+00;
	s5 =	sadd.s32 $0xCA00, s6;
	s6 =	smax.u32 s7, $0x1;
	s7 =	simm.s32 $0x2800  }
.LBB2_1:
0xc: {  	[tilespmem:s7], [sflag:$0x1] =	stream.linear.gather [hbm4b:s3+s2], $0x2800, $0x38;
	[tilespmem:$0x5000] =	vst v63  }
0xd: {  	_ =	swait.ge [sflag:s8], $0x2800  }
0xe: {  	[sflag:s8] =	ssyncset.done $0x0  }
0xf: {  	[sflag:s8] =	ssyncadd.s32 $0xFFFFD800  }
0x10: {  	[tilespmem:s2], [sflag:$0x1] =	stream.linear.gather [hbm4b:s4+s2], $0x2800, $0x38;
	[tilespmem:$0x5000] =	vst v63  }
0x11: {  	_ =	swait.ge [sflag:s8], $0x2800  }
0x12: {  	[sflag:s8] =	ssyncset.done $0x0  }
0x13: {  	s12 =	simm.s32 $0x0;
	[sflag:s8] =	ssyncadd.s32 $0xFFFFD800  }
.LBB2_2:
0x14: {  	s13 =	sshra.s32 s12, $0x2  }
0x15: {  	v1 =	vld [tilespmem:s13+$0x0];
	_ =	sdelay $0x7  }
0x16: {  	[tilespmem:v1+s7+$0x0] =	vst.idx.add.f32.msk $0xffff, v0  }
0x17: {  	v1 =	vld [tilespmem:s13+$0x10];
	_ =	sdelay $0x7  }
0x18: {  	[tilespmem:v1+s7+$0x0] =	vst.idx.add.f32.msk $0xffff, v0  }
0x19: {  	v1 =	vld [tilespmem:s13+$0x20];
	_ =	sdelay $0x7  }
0x1a: {  	[tilespmem:v1+s7+$0x0] =	vst.idx.add.f32.msk $0xffff, v0  }
0x1b: {  	v1 =	vld [tilespmem:s13+$0x30];
	_ =	sdelay $0x7  }
0x1c: {  	[tilespmem:v1+s7+$0x0] =	vst.idx.add.f32.msk $0xffff, v0  }
0x1d: {  	v1 =	vld [tilespmem:s13+$0x40];
	_ =	sdelay $0x7  }
0x1e: {  	[tilespmem:v1+s7+$0x0] =	vst.idx.add.f32.msk $0xffff, v0  }
0x1f: {  	v1 =	vld [tilespmem:s13+$0x50];
	_ =	sdelay $0x7  }
0x20: {  	[tilespmem:v1+s7+$0x0] =	vst.idx.add.f32.msk $0xffff, v0  }
0x21: {  	v1 =	vld [tilespmem:s13+$0x60];
	_ =	sdelay $0x7  }
0x22: {  	[tilespmem:v1+s7+$0x0] =	vst.idx.add.f32.msk $0xffff, v0  }
0x23: {  	v1 =	vld [tilespmem:s13+$0x70];
	_ =	sdelay $0x2  }
0x24: {  	p0 =	sne.s32 s12, $0x9E00  }
.Ltmp0:
0x25: {  	_ = 	snop;
	(pc) =	sbr.rel @p0 .LBB2_2-.Ltmp0, $2  }
0x26: {  	_ =	sdelay $0x2  }
0x27: {  	s12 =	sadd.s32 $0x200, s12;
	[tilespmem:v1+s7+$0x0] =	vst.idx.add.f32.msk $0xffff, v0  }
0x28: {  	s11 =	sadd.s32 $0x1, s11  }
0x29: {  	p0 =	sne.s32 s11, s6  }
.Ltmp1:
0x2a: {  	_ = 	snop;
	(pc) =	sbr.rel @p0 .LBB2_1-.Ltmp1, $4  }
0x2b: {  	[hbm4b:s5+s9] =	stream.strided.scatter [tilespmem:s7], [sflag:$0x1], $0x2800, s10, s9, $0x38;
	[tilespmem:$0x5000] =	vst v63  }
0x2c: {  	_ =	swait.ge [sflag:s8], $0x2800  }
0x2d: {  	[sflag:s8] =	ssyncset.done $0x0  }
0x2e: {  	[sflag:s8] =	ssyncadd.s32 $0xFFFFD800  }
0x2f: {  	_ =	sfence.sel $0x180000  }
0x30: {  	[bflag:$0x0] =	sbarrier.arrive $0xFFFF  }
0x31: {  	p0 =	sne.s32 s0, $0x0;
	_ =	strace $0x90000047  }
0x32: {  	s0 =	sadd.s32 @!p0 $0x100000, s1;
	[bflag:$0x2] =	sbarrier.arrive $0xFFFF  }
0x33: {  	[sflag:s0] =	ssyncadd.tile.s32 @!p0 $0x1;
	_ =	shalt  }
.Lfunc_end2:
_tile_overlayer_lowered:
.L_overlay_start_2:
0x34: {  	(tag) =	ssettag $0x2  }
0x35: {  	s0 =	rddreg [dreg:$0x0];
	s2 =	stileid.u32  }
0x36: {  	s1 =	rddreg [dreg:$0x1];
	p0 =	sne.s32 s2, $0x0  }
0x37: {  	s3 =	rddreg [dreg:$0x2];
	[bflag:$0x3] =	sbarrier.arrive $0xFFFF;
	s2 =	simm.s32 @!p0 $0x1C01  }
0x38: {  	[timem:s3], [sflag:s2] =	dma.local @!p0 [hbm:s0], s1  }
0x39: {  	s0 =	simm.s32 @!p0 $0x1  }
0x3a: {  	_ =	swait.ge @!p0 [sflag:s0], s1  }
0x3b: {  	s1 =	ssub.s32 @!p0 $0x0, s1;
	[sflag:s0] =	ssyncset.done @!p0 $0x0  }
0x3c: {  	[sflag:s0] =	ssyncadd.s32 @!p0 s1  }
0x3d: {  	[bflag:$0x3] =	sbarrier.arrive $0xFFFF  }
0x3e: {  	_ =	shalt  }

</sc_bundles>
